<compile_context>
chip_gen: v7x
topology: tpu7x:2x2x1
jax: 0.10.2.dev20260603
libtpu: 0.0.44.dev20260713+nightly
codegen_flags: <defaults>
</compile_context>

<pallas_src>
import functools

import jax
import jax.numpy as jnp
from jax import lax
from jax.experimental import pallas as pl
from jax.experimental.pallas import tpu as pltpu
from jax.experimental.pallas import tpu_sc as plsc

IOU_THRESHOLD = 0.5
EPS = 1e-7

L = 16
NC = 2
NS = 16
NW = NC * NS
N_DET = 1024
K_ANN = 32
MH = MW = 28
IMG = 512
WIN_H = 136
WIN_W = 144
PER_W = N_DET // NW
N_PIX = MH * MW
R_VECS = N_PIX // L
BLK = MH * MW * K_ANN


def _sc_partials(det_t, masks_flat, ann_t, mt3):
    mesh = plsc.VectorSubcoreMesh(core_axis_name="c", subcore_axis_name="s")

    @functools.partial(
        pl.kernel,
        out_type=jax.ShapeDtypeStruct((NW, L), jnp.float32),
        mesh=mesh,
        compiler_params=pltpu.CompilerParams(
            use_tc_tiling_on_sc=False, needs_layout_passes=False),
        scratch_types=[
            pltpu.VMEM((PER_W, L), jnp.float32),
            pltpu.VMEM((4, K_ANN), jnp.float32),
            pltpu.VMEM((BLK,), jnp.float32),
            pltpu.VMEM((WIN_H, WIN_W), jnp.float32),
            pltpu.VMEM((L,), jnp.float32),
        ],
    )
    def k(det_hbm, masks_hbm, ann_hbm, mt_hbm, out_hbm, det_v, ann_v, mblk, win, pbuf):
        wid = lax.axis_index("s") * NC + lax.axis_index("c")
        base = wid * PER_W
        pltpu.sync_copy(det_hbm.at[pl.ds(base, PER_W), :], det_v)
        pltpu.sync_copy(ann_hbm, ann_v)

        lane = lax.iota(jnp.int32, L)
        bx1a = ann_v[0, pl.ds(0, L)]
        bx1b = ann_v[0, pl.ds(L, L)]
        by1a = ann_v[1, pl.ds(0, L)]
        by1b = ann_v[1, pl.ds(L, L)]
        bx2a = ann_v[2, pl.ds(0, L)]
        bx2b = ann_v[2, pl.ds(L, L)]
        by2a = ann_v[3, pl.ds(0, L)]
        by2b = ann_v[3, pl.ds(L, L)]
        areaa = (bx2a - bx1a) * (by2a - by1a)
        areab = (bx2b - bx1b) * (by2b - by1b)

        def det_body(d, carry):
            tot, cnt = carry
            dv = det_v[d]
            ax1 = dv[0]
            ay1 = dv[1]
            ax2 = dv[2]
            ay2 = dv[3]
            area_d = (ax2 - ax1) * (ay2 - ay1)

            def iou_half(bx1, by1, bx2, by2, area_b):
                iw = jnp.maximum(jnp.minimum(ax2, bx2) - jnp.maximum(ax1, bx1), 0.0)
                ih = jnp.maximum(jnp.minimum(ay2, by2) - jnp.maximum(ay1, by1), 0.0)
                ua = jnp.maximum(area_d + area_b - iw * ih, EPS)
                return iw * ih / ua

            iou0 = iou_half(bx1a, by1a, bx2a, by2a, areaa)
            iou1 = iou_half(bx1b, by1b, bx2b, by2b, areab)
            mx = jnp.maximum(jnp.max(iou0), jnp.max(iou1))
            eq0 = iou0 == mx
            eq1 = iou1 == mx
            pc0 = plsc.all_reduce_population_count(eq0)
            f0 = plsc.all_reduce_ffs(eq0)
            f1 = plsc.all_reduce_ffs(eq1)
            c = jnp.max(jnp.where(pc0 > 0, f0, f1 + L))
            sel = jnp.where(mx >= IOU_THRESHOLD, 1.0, 0.0)

            scale = float(IMG - 1) / float(IMG)
            a_y = ay1 * scale
            a_x = ax1 * scale
            s_y = (ay2 - ay1) * (scale / float(MH - 1))
            s_x = (ax2 - ax1) * (scale / float(MW - 1))
            y_start = jnp.minimum(a_y.astype(jnp.int32), IMG - WIN_H)
            x_start = jnp.minimum(
                (a_x.astype(jnp.int32) // L) * L, IMG - WIN_W)

            pltpu.sync_copy(
                mt_hbm.at[c, pl.ds(y_start, WIN_H), pl.ds(x_start, WIN_W)], win)
            pltpu.sync_copy(masks_hbm.at[base + d], mblk)

            def r_body(r, acc):
                p = lane + r * L
                i = p // MW
                j = p - i * MW
                ys = a_y + i.astype(jnp.float32) * s_y
                xs = a_x + j.astype(jnp.float32) * s_x
                y0 = ys.astype(jnp.int32)
                x0 = xs.astype(jnp.int32)
                wy = ys - y0.astype(jnp.float32)
                wx = xs - x0.astype(jnp.float32)
                ry0 = jnp.minimum(y0, IMG - 1) - y_start
                ry1 = jnp.minimum(y0 + 1, IMG - 1) - y_start
                rx0 = jnp.minimum(x0, IMG - 1) - x_start
                rx1 = jnp.minimum(x0 + 1, IMG - 1) - x_start
                g00 = plsc.load_gather(win, [ry0, rx0])
                g01 = plsc.load_gather(win, [ry0, rx1])
                g10 = plsc.load_gather(win, [ry1, rx0])
                g11 = plsc.load_gather(win, [ry1, rx1])
                top = g00 + wx * (g01 - g00)
                bot = g10 + wx * (g11 - g10)
                crop = top + wy * (bot - top)
                mg = plsc.load_gather(mblk, [p * K_ANN + c])
                return acc + jnp.abs(mg - crop)

            acc = lax.fori_loop(0, R_VECS, r_body, jnp.zeros((L,), jnp.float32))
            return tot + jnp.sum(acc) * sel, cnt + sel

        tot, cnt = lax.fori_loop(
            0, PER_W, det_body,
            (jnp.float32(0.0), jnp.float32(0.0)))
        pbuf[...] = jnp.where(lane == 0, tot, jnp.where(lane == 1, cnt, 0.0))
        pltpu.sync_copy(pbuf, out_hbm.at[wid])

    return k(det_t, masks_flat, ann_t, mt3)


def _finish(p_ref, o_ref):
    x = p_ref[...]
    s = jnp.sum(x[:, 0:1])
    c = jnp.sum(x[:, 1:2])
    o_ref[...] = jnp.full((1, 1), s / jnp.maximum(c * float(N_PIX), 1.0),
                          jnp.float32)


def kernel(detections, masks, annotations, masks_target):
    det_t = jnp.pad(detections[0], ((0, 0), (0, L - 4)))
    ann_t = jnp.transpose(annotations[0], (1, 0))
    masks_flat = masks.reshape(N_DET, BLK)
    mt3 = masks_target.reshape(K_ANN, IMG, IMG)
    partials = _sc_partials(det_t, masks_flat, ann_t, mt3)
    out = pl.pallas_call(
        _finish,
        out_shape=jax.ShapeDtypeStruct((1, 1), jnp.float32),
    )(partials)
    return out[0, 0]

# --- scband reference (transcript-rebuilt; emitter-appended) ---
"""Pipeline reference for scband-mask-loss-73134703116963 (READ-ONLY COPY).

The authoritative reference and input builder live on the scoring server;
editing this copy changes nothing except your own understanding.
"""

import jax, jax.numpy as jnp
import numpy as np

IOU_THRESHOLD = 0.5
EPS = 1e-7


def overlap(a, b):
    area = (b[:, 2] - b[:, 0]) * (b[:, 3] - b[:, 1])
    iw = jnp.minimum(a[:, 2][:, None], b[:, 2]) - jnp.maximum(a[:, 0][:, None], b[:, 0])
    ih = jnp.minimum(a[:, 3][:, None], b[:, 3]) - jnp.maximum(a[:, 1][:, None], b[:, 1])
    iw = jnp.maximum(iw, 0.0)
    ih = jnp.maximum(ih, 0.0)
    ua = ((a[:, 2] - a[:, 0]) * (a[:, 3] - a[:, 1]))[:, None] + area - iw * ih
    ua = jnp.maximum(ua, EPS)
    return iw * ih / ua


def crop_and_resize(image, boxes, box_indices, crop_size):
    # image: [B, H, W, C]; boxes: [n, 4] normalized (y1, x1, y2, x2); bilinear, TF semantics
    H, W = image.shape[1], image.shape[2]
    ch, cw = crop_size
    n = boxes.shape[0]
    y1, x1, y2, x2 = boxes[:, 0], boxes[:, 1], boxes[:, 2], boxes[:, 3]
    ty = jnp.arange(ch, dtype=jnp.float32) / float(max(ch - 1, 1))
    tx = jnp.arange(cw, dtype=jnp.float32) / float(max(cw - 1, 1))
    ys = (y1[:, None] + (y2 - y1)[:, None] * ty[None, :]) * (H - 1)
    xs = (x1[:, None] + (x2 - x1)[:, None] * tx[None, :]) * (W - 1)
    img = image[box_indices]
    y0 = jnp.floor(ys)
    x0 = jnp.floor(xs)
    wy = ys - y0
    wx = xs - x0
    y0i = jnp.clip(y0, 0, H - 1).astype(jnp.int32)
    y1i = jnp.clip(y0 + 1, 0, H - 1).astype(jnp.int32)
    x0i = jnp.clip(x0, 0, W - 1).astype(jnp.int32)
    x1i = jnp.clip(x0 + 1, 0, W - 1).astype(jnp.int32)
    bidx = jnp.arange(n)[:, None, None]

    def g(yi, xi):
        return img[bidx, yi[:, :, None], xi[:, None, :], :]

    wxe = wx[:, None, :, None]
    wye = wy[:, :, None, None]
    top = g(y0i, x0i) * (1.0 - wxe) + g(y0i, x1i) * wxe
    bot = g(y1i, x0i) * (1.0 - wxe) + g(y1i, x1i) * wxe
    return top * (1.0 - wye) + bot * wye


def setup_inputs(seed: int = 0):
    key = jax.random.key(seed)
    k1, k2 = jax.random.split(key)
    N, K, H, W, MH, MW = 1024, 32, 512, 512, 28, 28
    rng = np.random.default_rng(0)
    bw = rng.uniform(40.0, 120.0, size=K)
    bh = rng.uniform(40.0, 120.0, size=K)
    cx = rng.uniform(70.0, float(W) - 70.0, size=K)
    cy = rng.uniform(70.0, float(H) - 70.0, size=K)
    ann = np.stack([cx - bw / 2, cy - bh / 2, cx + bw / 2, cy + bh / 2], axis=1).astype(np.float32)
    det = np.tile(ann, (N // K, 1)) + rng.uniform(-4.0, 4.0, size=(N, 4)).astype(np.float32)
    det = np.clip(det, 0.0, float(W) - 1.0).astype(np.float32)
    masks = jax.random.uniform(k1, (1, N, MH, MW, K), dtype=jnp.float32)
    masks_target = jax.random.uniform(k2, (1, K, H, W), dtype=jnp.float32)
    return {
        'detections': jnp.asarray(det)[None],
        'masks': masks,
        'annotations': jnp.asarray(ann)[None],
        'masks_target': masks_target,
    }


def reference(detections, masks, annotations, masks_target):
    det = detections[0]
    m = masks[0]
    ann = annotations[0]
    mt = masks_target[0]
    iou = overlap(det, ann)
    argmax_overlaps_inds = jnp.argmax(iou, axis=1)
    max_iou = jnp.max(iou, axis=1)
    sel_mask = (max_iou >= IOU_THRESHOLD).astype(jnp.float32)
    cls = argmax_overlaps_inds.astype(jnp.int32)
    H = float(mt.shape[1])
    W = float(mt.shape[2])
    x1 = det[:, 0]
    y1 = det[:, 1]
    x2 = det[:, 2]
    y2 = det[:, 3]
    boxes = jnp.stack([y1 / H, x1 / W, y2 / H, x2 / W], axis=1)
    mt_e = mt[:, :, :, None]
    crop = crop_and_resize(mt_e, boxes, cls, (m.shape[1], m.shape[2]))[:, :, :, 0]
    m_t = jnp.transpose(m, (0, 3, 1, 2))
    m_g = m_t[jnp.arange(m_t.shape[0]), cls]
    mask_loss = jnp.abs(m_g - crop) * sel_mask[:, None, None]
    count = jnp.sum(sel_mask)
    divisor = count * float(m_g.shape[1] * m_g.shape[2])
    return jnp.sum(mask_loss) / jnp.maximum(divisor.astype(jnp.float32), 1.0)

if __name__ == "__main__":
    import jax
    _d = setup_inputs()
    print(jax.jit(kernel)(*tuple(_d.values())))

</pallas_src>

<mosaic_0001>
#map = affine_map<(d0, d1) -> (0, 0)>
#map1 = affine_map<(d0, d1) -> (0, 0, 0)>
module attributes {stable_mosaic.version = 14 : i64} {
  func.func @k(%arg0: i32, %arg1: i32, %arg2: memref<1024x16xf32, #tpu.memory_space<hbm>>, %arg3: memref<1024x25088xf32, #tpu.memory_space<hbm>>, %arg4: memref<4x32xf32, #tpu.memory_space<hbm>>, %arg5: memref<32x512x512xf32, #tpu.memory_space<hbm>>, %arg6: memref<32x16xf32, #tpu.memory_space<hbm>>, %arg7: memref<32x16xf32, #tpu.memory_space<vmem>>, %arg8: memref<4x32xf32, #tpu.memory_space<vmem>>, %arg9: memref<25088xf32, #tpu.memory_space<vmem>>, %arg10: memref<136x144xf32, #tpu.memory_space<vmem>>, %arg11: memref<16xf32, #tpu.memory_space<vmem>>) attributes {dimension_semantics = [#tpu.dimension_semantics<core_parallel>, #tpu.dimension_semantics<subcore_parallel>], iteration_bounds = array<i64: 2, 16>, scalar_prefetch = 0 : i64, scratch_operands = 5 : i64, tpu.core_type = #tpu.core_type<sc_vector_subcore>, window_params = [{transform_indices = #map}, {transform_indices = #map}, {transform_indices = #map}, {transform_indices = #map1}, {transform_indices = #map}]} {
    %mul3A = arith.constant 2 : i32
    %mul3A_0 = arith.muli %arg1, %mul3A : i32
    %add3A = arith.addi %mul3A_0, %arg0 : i32
    %mul3A_1 = arith.constant 32 : i32
    %mul3A_2 = arith.muli %add3A, %mul3A_1 : i32
    "tpu.region"() ({
      %run_scoped3A = tpu.sem_alloc : memref<!tpu.dma_semaphore, #tpu.memory_space<semaphore_mem>>
      %dma_start3A = arith.constant 0 : i32
      %dma_start3A_55 = tpu.memref_slice %arg2[%mul3A_2, %dma_start3A] : memref<1024x16xf32, #tpu.memory_space<hbm>> -> memref<32x16xf32, #tpu.memory_space<hbm>>
      %dma_start3A_56 = arith.constant 0 : i32
      %dma_start3A_57 = tpu.memref_slice %arg2[%mul3A_2, %dma_start3A_56] : memref<1024x16xf32, #tpu.memory_space<hbm>> -> memref<32x16xf32, #tpu.memory_space<hbm>>
      tpu.enqueue_dma source(%dma_start3A_57 : memref<32x16xf32, #tpu.memory_space<hbm>>) target(%arg7 : memref<32x16xf32, #tpu.memory_space<vmem>>) target_semaphore(%run_scoped3A : memref<!tpu.dma_semaphore, #tpu.memory_space<semaphore_mem>>)
      %dma_wait3A = arith.constant 0 : i32
      %dma_wait3A_58 = tpu.memref_slice %arg2[%mul3A_2, %dma_wait3A] : memref<1024x16xf32, #tpu.memory_space<hbm>> -> memref<32x16xf32, #tpu.memory_space<hbm>>
      %dma_wait3A_59 = arith.constant 0 : i32
      %dma_wait3A_60 = tpu.memref_slice %arg2[%mul3A_2, %dma_wait3A_59] : memref<1024x16xf32, #tpu.memory_space<hbm>> -> memref<32x16xf32, #tpu.memory_space<hbm>>
      tpu.wait_dma2 semaphore(%run_scoped3A : memref<!tpu.dma_semaphore, #tpu.memory_space<semaphore_mem>>) src(%dma_wait3A_60 : memref<32x16xf32, #tpu.memory_space<hbm>>) dst(%arg7 : memref<32x16xf32, #tpu.memory_space<vmem>>)
      tpu.yield
    }) : () -> ()
    "tpu.region"() ({
      %run_scoped3A = tpu.sem_alloc : memref<!tpu.dma_semaphore, #tpu.memory_space<semaphore_mem>>
      tpu.enqueue_dma source(%arg4 : memref<4x32xf32, #tpu.memory_space<hbm>>) target(%arg8 : memref<4x32xf32, #tpu.memory_space<vmem>>) target_semaphore(%run_scoped3A : memref<!tpu.dma_semaphore, #tpu.memory_space<semaphore_mem>>)
      tpu.wait_dma2 semaphore(%run_scoped3A : memref<!tpu.dma_semaphore, #tpu.memory_space<semaphore_mem>>) src(%arg4 : memref<4x32xf32, #tpu.memory_space<hbm>>) dst(%arg8 : memref<4x32xf32, #tpu.memory_space<vmem>>)
      tpu.yield
    }) : () -> ()
    %iota3A = tpu.iota {dimensions = array<i32: 0>} : vector<16xi32>
    %get3A = arith.constant 0 : i32
    %get3A_3 = arith.index_cast %get3A : i32 to index
    %get3A_4 = arith.constant 0 : index
    %get3A_5 = tpu.vector_load %arg8[%get3A_3, %get3A_4] {strides = array<i32>} : memref<4x32xf32, #tpu.memory_space<vmem>>, vector<16xf32>,
    %get3A_6 = arith.constant 0 : i32
    %get3A_7 = arith.index_cast %get3A_6 : i32 to index
    %get3A_8 = arith.constant 16 : index
    %get3A_9 = tpu.vector_load %arg8[%get3A_7, %get3A_8] {strides = array<i32>} : memref<4x32xf32, #tpu.memory_space<vmem>>, vector<16xf32>,
    %get3A_10 = arith.constant 1 : i32
    %get3A_11 = arith.index_cast %get3A_10 : i32 to index
    %get3A_12 = arith.constant 0 : index
    %get3A_13 = tpu.vector_load %arg8[%get3A_11, %get3A_12] {strides = array<i32>} : memref<4x32xf32, #tpu.memory_space<vmem>>, vector<16xf32>,
    %get3A_14 = arith.constant 1 : i32
    %get3A_15 = arith.index_cast %get3A_14 : i32 to index
    %get3A_16 = arith.constant 16 : index
    %get3A_17 = tpu.vector_load %arg8[%get3A_15, %get3A_16] {strides = array<i32>} : memref<4x32xf32, #tpu.memory_space<vmem>>, vector<16xf32>,
    %get3A_18 = arith.constant 2 : i32
    %get3A_19 = arith.index_cast %get3A_18 : i32 to index
    %get3A_20 = arith.constant 0 : index
    %get3A_21 = tpu.vector_load %arg8[%get3A_19, %get3A_20] {strides = array<i32>} : memref<4x32xf32, #tpu.memory_space<vmem>>, vector<16xf32>,
    %get3A_22 = arith.constant 2 : i32
    %get3A_23 = arith.index_cast %get3A_22 : i32 to index
    %get3A_24 = arith.constant 16 : index
    %get3A_25 = tpu.vector_load %arg8[%get3A_23, %get3A_24] {strides = array<i32>} : memref<4x32xf32, #tpu.memory_space<vmem>>, vector<16xf32>,
    %get3A_26 = arith.constant 3 : i32
    %get3A_27 = arith.index_cast %get3A_26 : i32 to index
    %get3A_28 = arith.constant 0 : index
    %get3A_29 = tpu.vector_load %arg8[%get3A_27, %get3A_28] {strides = array<i32>} : memref<4x32xf32, #tpu.memory_space<vmem>>, vector<16xf32>,
    %get3A_30 = arith.constant 3 : i32
    %get3A_31 = arith.index_cast %get3A_30 : i32 to index
    %get3A_32 = arith.constant 16 : index
    %get3A_33 = tpu.vector_load %arg8[%get3A_31, %get3A_32] {strides = array<i32>} : memref<4x32xf32, #tpu.memory_space<vmem>>, vector<16xf32>,
    %sub3A = arith.subf %get3A_21, %get3A_5 : vector<16xf32>
    %sub3A_34 = arith.subf %get3A_29, %get3A_13 : vector<16xf32>
    %mul3A_35 = arith.mulf %sub3A, %sub3A_34 : vector<16xf32>
    %sub3A_36 = arith.subf %get3A_25, %get3A_9 : vector<16xf32>
    %sub3A_37 = arith.subf %get3A_33, %get3A_17 : vector<16xf32>
    %mul3A_38 = arith.mulf %sub3A_36, %sub3A_37 : vector<16xf32>
    %scan3A = arith.constant 0.000000e+00 : f32
    %scan3A_39 = arith.constant 0.000000e+00 : f32
    %scan3A_40 = arith.constant 0 : i32
    %scan3A_41 = arith.constant 32 : i32
    %scan3A_42 = arith.addi %scan3A_40, %scan3A_41 : i32
    %scan3A_43 = arith.constant 1 : i32
    %scan3A_44:2 = scf.for %scan3A_55 = %scan3A_40 to %scan3A_42 step %scan3A_43 iter_args(%scan3A_56 = %scan3A, %scan3A_57 = %scan3A_39) -> (f32, f32)  : i32 {
      %get3A_58 = arith.index_cast %scan3A_55 : i32 to index
      %get3A_59 = arith.constant 0 : index
      %get3A_60 = tpu.vector_load %arg7[%get3A_58, %get3A_59] {strides = array<i32>} : memref<32x16xf32, #tpu.memory_space<vmem>>, vector<16xf32>,
      %slice3A = vector.extract_strided_slice %get3A_60 {offsets = [0], sizes = [1], strides = [1]} : vector<16xf32> to vector<1xf32>
      %squeeze3A = vector.extract %slice3A[0] : f32 from vector<1xf32>
      %slice3A_61 = vector.extract_strided_slice %get3A_60 {offsets = [1], sizes = [1], strides = [1]} : vector<16xf32> to vector<1xf32>
      %squeeze3A_62 = vector.extract %slice3A_61[0] : f32 from vector<1xf32>
      %slice3A_63 = vector.extract_strided_slice %get3A_60 {offsets = [2], sizes = [1], strides = [1]} : vector<16xf32> to vector<1xf32>
      %squeeze3A_64 = vector.extract %slice3A_63[0] : f32 from vector<1xf32>
      %slice3A_65 = vector.extract_strided_slice %get3A_60 {offsets = [3], sizes = [1], strides = [1]} : vector<16xf32> to vector<1xf32>
      %squeeze3A_66 = vector.extract %slice3A_65[0] : f32 from vector<1xf32>
      %sub3A_67 = arith.subf %squeeze3A_64, %squeeze3A : f32
      %sub3A_68 = arith.subf %squeeze3A_66, %squeeze3A_62 : f32
      %mul3A_69 = arith.mulf %sub3A_67, %sub3A_68 : f32
      %min3A = vector.broadcast %squeeze3A_64 : f32 to vector<16xf32>
      %min3A_70 = arith.minimumf %min3A, %get3A_21 : vector<16xf32>
      %max3A = vector.broadcast %squeeze3A : f32 to vector<16xf32>
      %max3A_71 = arith.maximumf %max3A, %get3A_5 : vector<16xf32>
      %sub3A_72 = arith.subf %min3A_70, %max3A_71 : vector<16xf32>
      %max3A_73 = arith.constant 0.000000e+00 : f32
      %max3A_74 = vector.broadcast %max3A_73 : f32 to vector<16xf32>
      %max3A_75 = arith.maximumf %sub3A_72, %max3A_74 : vector<16xf32>
      %min3A_76 = vector.broadcast %squeeze3A_66 : f32 to vector<16xf32>
      %min3A_77 = arith.minimumf %min3A_76, %get3A_29 : vector<16xf32>
      %max3A_78 = vector.broadcast %squeeze3A_62 : f32 to vector<16xf32>
      %max3A_79 = arith.maximumf %max3A_78, %get3A_13 : vector<16xf32>
      %sub3A_80 = arith.subf %min3A_77, %max3A_79 : vector<16xf32>
      %max3A_81 = arith.constant 0.000000e+00 : f32
      %max3A_82 = vector.broadcast %max3A_81 : f32 to vector<16xf32>
      %max3A_83 = arith.maximumf %sub3A_80, %max3A_82 : vector<16xf32>
      %add3A_84 = vector.broadcast %mul3A_69 : f32 to vector<16xf32>
      %add3A_85 = arith.addf %add3A_84, %mul3A_35 : vector<16xf32>
      %mul3A_86 = arith.mulf %max3A_75, %max3A_83 : vector<16xf32>
      %sub3A_87 = arith.subf %add3A_85, %mul3A_86 : vector<16xf32>
      %max3A_88 = arith.constant 1.000000e-07 : f32
      %max3A_89 = vector.broadcast %max3A_88 : f32 to vector<16xf32>
      %max3A_90 = arith.maximumf %sub3A_87, %max3A_89 : vector<16xf32>
      %mul3A_91 = arith.mulf %max3A_75, %max3A_83 : vector<16xf32>
      %div3A = arith.divf %mul3A_91, %max3A_90 : vector<16xf32>
      %min3A_92 = vector.broadcast %squeeze3A_64 : f32 to vector<16xf32>
      %min3A_93 = arith.minimumf %min3A_92, %get3A_25 : vector<16xf32>
      %max3A_94 = vector.broadcast %squeeze3A : f32 to vector<16xf32>
      %max3A_95 = arith.maximumf %max3A_94, %get3A_9 : vector<16xf32>
      %sub3A_96 = arith.subf %min3A_93, %max3A_95 : vector<16xf32>
      %max3A_97 = arith.constant 0.000000e+00 : f32
      %max3A_98 = vector.broadcast %max3A_97 : f32 to vector<16xf32>
      %max3A_99 = arith.maximumf %sub3A_96, %max3A_98 : vector<16xf32>
      %min3A_100 = vector.broadcast %squeeze3A_66 : f32 to vector<16xf32>
      %min3A_101 = arith.minimumf %min3A_100, %get3A_33 : vector<16xf32>
      %max3A_102 = vector.broadcast %squeeze3A_62 : f32 to vector<16xf32>
      %max3A_103 = arith.maximumf %max3A_102, %get3A_17 : vector<16xf32>
      %sub3A_104 = arith.subf %min3A_101, %max3A_103 : vector<16xf32>
      %max3A_105 = arith.constant 0.000000e+00 : f32
      %max3A_106 = vector.broadcast %max3A_105 : f32 to vector<16xf32>
      %max3A_107 = arith.maximumf %sub3A_104, %max3A_106 : vector<16xf32>
      %add3A_108 = vector.broadcast %mul3A_69 : f32 to vector<16xf32>
      %add3A_109 = arith.addf %add3A_108, %mul3A_38 : vector<16xf32>
      %mul3A_110 = arith.mulf %max3A_99, %max3A_107 : vector<16xf32>
      %sub3A_111 = arith.subf %add3A_109, %mul3A_110 : vector<16xf32>
      %max3A_112 = arith.constant 1.000000e-07 : f32
      %max3A_113 = vector.broadcast %max3A_112 : f32 to vector<16xf32>
      %max3A_114 = arith.maximumf %sub3A_111, %max3A_113 : vector<16xf32>
      %mul3A_115 = arith.mulf %max3A_99, %max3A_107 : vector<16xf32>
      %div3A_116 = arith.divf %mul3A_115, %max3A_114 : vector<16xf32>
      %reduce_max3A = arith.constant true
      %reduce_max3A_117 = vector.broadcast %reduce_max3A : i1 to vector<16xi1>
      %reduce_max3A_118 = tpu.scan <max>, %div3A masked %reduce_max3A_117 : vector<16xf32>, vector<16xi1> -> vector<16xf32>
      %reduce_max3A_119 = vector.extract %reduce_max3A_118[15] : f32 from vector<16xf32>
      %reduce_max3A_120 = arith.constant true
      %reduce_max3A_121 = vector.broadcast %reduce_max3A_120 : i1 to vector<16xi1>
      %reduce_max3A_122 = tpu.scan <max>, %div3A_116 masked %reduce_max3A_121 : vector<16xf32>, vector<16xi1> -> vector<16xf32>
      %reduce_max3A_123 = vector.extract %reduce_max3A_122[15] : f32 from vector<16xf32>
      %max3A_124 = arith.maximumf %reduce_max3A_119, %reduce_max3A_123 : f32
      %eq3A_125 = vector.broadcast %max3A_124 : f32 to vector<16xf32>
      %eq3A_126 = arith.cmpf oeq, %div3A, %eq3A_125 : vector<16xf32>
      %eq3A_127 = vector.broadcast %max3A_124 : f32 to vector<16xf32>
      %eq3A_128 = arith.cmpf oeq, %div3A_116, %eq3A_127 : vector<16xf32>
      %all_reduce_population_count3A = tpu.all_reduce %eq3A_126 {dim = 0 : i64, kind = #tpu.reduction_kind<sum>} : vector<16xi1> -> vector<16xi32>
      %all_reduce_ffs3A = tpu.all_reduce %eq3A_126 {dim = 0 : i64, kind = #tpu.reduction_kind<find_first_set>} : vector<16xi1> -> vector<16xi32>
      %all_reduce_ffs3A_129 = tpu.all_reduce %eq3A_128 {dim = 0 : i64, kind = #tpu.reduction_kind<find_first_set>} : vector<16xi1> -> vector<16xi32>
      %gt3A = arith.constant 0 : i32
      %gt3A_130 = vector.broadcast %gt3A : i32 to vector<16xi32>
      %gt3A_131 = arith.cmpi sgt, %all_reduce_population_count3A, %gt3A_130 : vector<16xi32>
      %add3A_132 = arith.constant 16 : i32
      %add3A_133 = vector.broadcast %add3A_132 : i32 to vector<16xi32>
      %add3A_134 = arith.addi %all_reduce_ffs3A_129, %add3A_133 : vector<16xi32>
      %select_n3A_135 = arith.select %gt3A_131, %all_reduce_ffs3A, %add3A_134 : vector<16xi1>, vector<16xi32>
      %reduce_max3A_136 = arith.constant true
      %reduce_max3A_137 = vector.broadcast %reduce_max3A_136 : i1 to vector<16xi1>
      %reduce_max3A_138 = arith.constant -2147483648 : i32
      %reduce_max3A_139 = vector.broadcast %reduce_max3A_138 : i32 to vector<16xi32>
      %reduce_max3A_140 = arith.xori %select_n3A_135, %reduce_max3A_139 : vector<16xi32>
      %reduce_max3A_141 = tpu.scan <max>, %reduce_max3A_140 masked %reduce_max3A_137 : vector<16xi32>, vector<16xi1> -> vector<16xi32>
      %reduce_max3A_142 = arith.xori %reduce_max3A_141, %reduce_max3A_139 : vector<16xi32>
      %reduce_max3A_143 = vector.extract %reduce_max3A_142[15] : i32 from vector<16xi32>
      %ge3A = arith.constant 5.000000e-01 : f32
      %ge3A_144 = arith.cmpf oge, %max3A_124, %ge3A : f32
      %jit3A_145 = arith.constant 1.000000e+00 : f32
      %jit3A_146 = arith.constant 0.000000e+00 : f32
      %select_n3A_147 = arith.select %ge3A_144, %jit3A_145, %jit3A_146 : f32
      %mul3A_148 = arith.constant 0.998046875 : f32
      %mul3A_149 = arith.mulf %squeeze3A_62, %mul3A_148 : f32
      %mul3A_150 = arith.constant 0.998046875 : f32
      %mul3A_151 = arith.mulf %squeeze3A, %mul3A_150 : f32
      %sub3A_152 = arith.subf %squeeze3A_66, %squeeze3A_62 : f32
      %mul3A_153 = arith.constant 3.696470e-02 : f32
      %mul3A_154 = arith.mulf %sub3A_152, %mul3A_153 : f32
      %sub3A_155 = arith.subf %squeeze3A_64, %squeeze3A : f32
      %mul3A_156 = arith.constant 3.696470e-02 : f32
      %mul3A_157 = arith.mulf %sub3A_155, %mul3A_156 : f32
      %convert_element_type3A = arith.fptosi %mul3A_149 : f32 to i32
      %min3A_158 = arith.constant 376 : i32
      %min3A_159 = arith.minsi %convert_element_type3A, %min3A_158 : i32
      %convert_element_type3A_160 = arith.fptosi %mul3A_151 : f32 to i32
      %jit3A_161 = arith.constant 16 : i32
      %div3A_162 = arith.divsi %convert_element_type3A_160, %jit3A_161 : i32
      %sign3A = arith.constant 0 : i32
      %sign3A_163 = arith.cmpi sgt, %convert_element_type3A_160, %sign3A : i32
      %sign3A_164 = arith.extui %sign3A_163 : i1 to i32
      %sign3A_165 = arith.constant 0 : i32
      %sign3A_166 = arith.cmpi slt, %convert_element_type3A_160, %sign3A_165 : i32
      %sign3A_167 = arith.extui %sign3A_166 : i1 to i32
      %sign3A_168 = arith.subi %sign3A_164, %sign3A_167 : i32
      %sign3A_169 = arith.constant 0 : i32
      %sign3A_170 = arith.cmpi sgt, %jit3A_161, %sign3A_169 : i32
      %sign3A_171 = arith.extui %sign3A_170 : i1 to i32
      %sign3A_172 = arith.constant 0 : i32
      %sign3A_173 = arith.cmpi slt, %jit3A_161, %sign3A_172 : i32
      %sign3A_174 = arith.extui %sign3A_173 : i1 to i32
      %sign3A_175 = arith.subi %sign3A_171, %sign3A_174 : i32
      %ne3A = arith.cmpi ne, %sign3A_168, %sign3A_175 : i32
      %rem3A = arith.remsi %convert_element_type3A_160, %jit3A_161 : i32
      %ne3A_176 = arith.constant 0 : i32
      %ne3A_177 = arith.cmpi ne, %rem3A, %ne3A_176 : i32
      %and3A = arith.andi %ne3A, %ne3A_177 : i1
      %sub3A_178 = arith.constant 1 : i32
      %sub3A_179 = arith.subi %div3A_162, %sub3A_178 : i32
      %select_n3A_180 = arith.select %and3A, %sub3A_179, %div3A_162 : i32
      %mul3A_181 = arith.constant 16 : i32
      %mul3A_182 = arith.muli %select_n3A_180, %mul3A_181 : i32
      %min3A_183 = arith.constant 368 : i32
      %min3A_184 = arith.minsi %mul3A_182, %min3A_183 : i32
      "tpu.region"() ({
        %run_scoped3A = tpu.sem_alloc : memref<!tpu.dma_semaphore, #tpu.memory_space<semaphore_mem>>
        %dma_start3A = tpu.memref_slice %arg5[%reduce_max3A_143, %min3A_159, %min3A_184] : memref<32x512x512xf32, #tpu.memory_space<hbm>> -> memref<1x136x144xf32, #tpu.memory_space<hbm>>
        %dma_start3A_200 = tpu.memref_squeeze %dma_start3A : memref<1x136x144xf32, #tpu.memory_space<hbm>> -> memref<136x144xf32, #tpu.memory_space<hbm>>
        %dma_start3A_201 = tpu.memref_slice %arg5[%reduce_max3A_143, %min3A_159, %min3A_184] : memref<32x512x512xf32, #tpu.memory_space<hbm>> -> memref<1x136x144xf32, #tpu.memory_space<hbm>>
        %dma_start3A_202 = tpu.memref_squeeze %dma_start3A_201 : memref<1x136x144xf32, #tpu.memory_space<hbm>> -> memref<136x144xf32, #tpu.memory_space<hbm>>
        tpu.enqueue_dma source(%dma_start3A_202 : memref<136x144xf32, #tpu.memory_space<hbm>>) target(%arg10 : memref<136x144xf32, #tpu.memory_space<vmem>>) target_semaphore(%run_scoped3A : memref<!tpu.dma_semaphore, #tpu.memory_space<semaphore_mem>>)
        %dma_wait3A = tpu.memref_slice %arg5[%reduce_max3A_143, %min3A_159, %min3A_184] : memref<32x512x512xf32, #tpu.memory_space<hbm>> -> memref<1x136x144xf32, #tpu.memory_space<hbm>>
        %dma_wait3A_203 = tpu.memref_squeeze %dma_wait3A : memref<1x136x144xf32, #tpu.memory_space<hbm>> -> memref<136x144xf32, #tpu.memory_space<hbm>>
        %dma_wait3A_204 = tpu.memref_slice %arg5[%reduce_max3A_143, %min3A_159, %min3A_184] : memref<32x512x512xf32, #tpu.memory_space<hbm>> -> memref<1x136x144xf32, #tpu.memory_space<hbm>>
        %dma_wait3A_205 = tpu.memref_squeeze %dma_wait3A_204 : memref<1x136x144xf32, #tpu.memory_space<hbm>> -> memref<136x144xf32, #tpu.memory_space<hbm>>
        tpu.wait_dma2 semaphore(%run_scoped3A : memref<!tpu.dma_semaphore, #tpu.memory_space<semaphore_mem>>) src(%dma_wait3A_205 : memref<136x144xf32, #tpu.memory_space<hbm>>) dst(%arg10 : memref<136x144xf32, #tpu.memory_space<vmem>>)
        tpu.yield
      }) : () -> ()
      %add3A_185 = arith.addi %mul3A_2, %scan3A_55 : i32
      "tpu.region"() ({
        %run_scoped3A = tpu.sem_alloc : memref<!tpu.dma_semaphore, #tpu.memory_space<semaphore_mem>>
        %dma_start3A = arith.constant 0 : i32
        %dma_start3A_200 = tpu.memref_slice %arg3[%add3A_185, %dma_start3A] : memref<1024x25088xf32, #tpu.memory_space<hbm>> -> memref<1x25088xf32, #tpu.memory_space<hbm>>
        %dma_start3A_201 = tpu.memref_squeeze %dma_start3A_200 : memref<1x25088xf32, #tpu.memory_space<hbm>> -> memref<25088xf32, #tpu.memory_space<hbm>>
        %dma_start3A_202 = arith.constant 0 : i32
        %dma_start3A_203 = tpu.memref_slice %arg3[%add3A_185, %dma_start3A_202] : memref<1024x25088xf32, #tpu.memory_space<hbm>> -> memref<1x25088xf32, #tpu.memory_space<hbm>>
        %dma_start3A_204 = tpu.memref_squeeze %dma_start3A_203 : memref<1x25088xf32, #tpu.memory_space<hbm>> -> memref<25088xf32, #tpu.memory_space<hbm>>
        tpu.enqueue_dma source(%dma_start3A_204 : memref<25088xf32, #tpu.memory_space<hbm>>) target(%arg9 : memref<25088xf32, #tpu.memory_space<vmem>>) target_semaphore(%run_scoped3A : memref<!tpu.dma_semaphore, #tpu.memory_space<semaphore_mem>>)
        %dma_wait3A = arith.constant 0 : i32
        %dma_wait3A_205 = tpu.memref_slice %arg3[%add3A_185, %dma_wait3A] : memref<1024x25088xf32, #tpu.memory_space<hbm>> -> memref<1x25088xf32, #tpu.memory_space<hbm>>
        %dma_wait3A_206 = tpu.memref_squeeze %dma_wait3A_205 : memref<1x25088xf32, #tpu.memory_space<hbm>> -> memref<25088xf32, #tpu.memory_space<hbm>>
        %dma_wait3A_207 = arith.constant 0 : i32
        %dma_wait3A_208 = tpu.memref_slice %arg3[%add3A_185, %dma_wait3A_207] : memref<1024x25088xf32, #tpu.memory_space<hbm>> -> memref<1x25088xf32, #tpu.memory_space<hbm>>
        %dma_wait3A_209 = tpu.memref_squeeze %dma_wait3A_208 : memref<1x25088xf32, #tpu.memory_space<hbm>> -> memref<25088xf32, #tpu.memory_space<hbm>>
        tpu.wait_dma2 semaphore(%run_scoped3A : memref<!tpu.dma_semaphore, #tpu.memory_space<semaphore_mem>>) src(%dma_wait3A_209 : memref<25088xf32, #tpu.memory_space<hbm>>) dst(%arg9 : memref<25088xf32, #tpu.memory_space<vmem>>)
        tpu.yield
      }) : () -> ()
      %broadcast_in_dim3A_186 = arith.constant 0.000000e+00 : f32
      %broadcast_in_dim3A_187 = vector.broadcast %broadcast_in_dim3A_186 : f32 to vector<16xf32>
      %scan3A_188 = arith.constant 0 : i32
      %scan3A_189 = arith.constant 49 : i32
      %scan3A_190 = arith.addi %scan3A_188, %scan3A_189 : i32
      %scan3A_191 = arith.constant 1 : i32
      %scan3A_192 = scf.for %scan3A_200 = %scan3A_188 to %scan3A_190 step %scan3A_191 iter_args(%scan3A_201 = %broadcast_in_dim3A_187) -> (vector<16xf32>)  : i32 {
        %mul3A_202 = arith.constant 16 : i32
        %mul3A_203 = arith.muli %scan3A_200, %mul3A_202 : i32
        %add3A_204 = vector.broadcast %mul3A_203 : i32 to vector<16xi32>
        %add3A_205 = arith.addi %iota3A, %add3A_204 : vector<16xi32>
        %jit3A_206 = arith.constant 28 : i32
        %div3A_207 = vector.broadcast %jit3A_206 : i32 to vector<16xi32>
        %div3A_208 = arith.divsi %add3A_205, %div3A_207 : vector<16xi32>
        %sign3A_209 = arith.constant 0 : i32
        %sign3A_210 = vector.broadcast %sign3A_209 : i32 to vector<16xi32>
        %sign3A_211 = arith.cmpi sgt, %add3A_205, %sign3A_210 : vector<16xi32>
        %sign3A_212 = arith.extui %sign3A_211 : vector<16xi1> to vector<16xi32>
        %sign3A_213 = arith.constant 0 : i32
        %sign3A_214 = vector.broadcast %sign3A_213 : i32 to vector<16xi32>
        %sign3A_215 = arith.cmpi slt, %add3A_205, %sign3A_214 : vector<16xi32>
        %sign3A_216 = arith.extui %sign3A_215 : vector<16xi1> to vector<16xi32>
        %sign3A_217 = arith.subi %sign3A_212, %sign3A_216 : vector<16xi32>
        %sign3A_218 = arith.constant 0 : i32
        %sign3A_219 = arith.cmpi sgt, %jit3A_206, %sign3A_218 : i32
        %sign3A_220 = arith.extui %sign3A_219 : i1 to i32
        %sign3A_221 = arith.constant 0 : i32
        %sign3A_222 = arith.cmpi slt, %jit3A_206, %sign3A_221 : i32
        %sign3A_223 = arith.extui %sign3A_222 : i1 to i32
        %sign3A_224 = arith.subi %sign3A_220, %sign3A_223 : i32
        %ne3A_225 = vector.broadcast %sign3A_224 : i32 to vector<16xi32>
        %ne3A_226 = arith.cmpi ne, %sign3A_217, %ne3A_225 : vector<16xi32>
        %rem3A_227 = vector.broadcast %jit3A_206 : i32 to vector<16xi32>
        %rem3A_228 = arith.remsi %add3A_205, %rem3A_227 : vector<16xi32>
        %ne3A_229 = arith.constant 0 : i32
        %ne3A_230 = vector.broadcast %ne3A_229 : i32 to vector<16xi32>
        %ne3A_231 = arith.cmpi ne, %rem3A_228, %ne3A_230 : vector<16xi32>
        %and3A_232 = arith.andi %ne3A_226, %ne3A_231 : vector<16xi1>
        %sub3A_233 = arith.constant 1 : i32
        %sub3A_234 = vector.broadcast %sub3A_233 : i32 to vector<16xi32>
        %sub3A_235 = arith.subi %div3A_208, %sub3A_234 : vector<16xi32>
        %select_n3A_236 = arith.select %and3A_232, %sub3A_235, %div3A_208 : vector<16xi1>, vector<16xi32>
        %mul3A_237 = arith.constant 28 : i32
        %mul3A_238 = vector.broadcast %mul3A_237 : i32 to vector<16xi32>
        %mul3A_239 = arith.muli %select_n3A_236, %mul3A_238 : vector<16xi32>
        %sub3A_240 = arith.subi %add3A_205, %mul3A_239 : vector<16xi32>
        %convert_element_type3A_241 = arith.sitofp %select_n3A_236 : vector<16xi32> to vector<16xf32>
        %mul3A_242 = vector.broadcast %mul3A_154 : f32 to vector<16xf32>
        %mul3A_243 = arith.mulf %convert_element_type3A_241, %mul3A_242 : vector<16xf32>
        %add3A_244 = vector.broadcast %mul3A_149 : f32 to vector<16xf32>
        %add3A_245 = arith.addf %add3A_244, %mul3A_243 : vector<16xf32>
        %convert_element_type3A_246 = arith.sitofp %sub3A_240 : vector<16xi32> to vector<16xf32>
        %mul3A_247 = vector.broadcast %mul3A_157 : f32 to vector<16xf32>
        %mul3A_248 = arith.mulf %convert_element_type3A_246, %mul3A_247 : vector<16xf32>
        %add3A_249 = vector.broadcast %mul3A_151 : f32 to vector<16xf32>
        %add3A_250 = arith.addf %add3A_249, %mul3A_248 : vector<16xf32>
        %convert_element_type3A_251 = arith.fptosi %add3A_245 : vector<16xf32> to vector<16xi32>
        %convert_element_type3A_252 = arith.fptosi %add3A_250 : vector<16xf32> to vector<16xi32>
        %convert_element_type3A_253 = arith.sitofp %convert_element_type3A_251 : vector<16xi32> to vector<16xf32>
        %sub3A_254 = arith.subf %add3A_245, %convert_element_type3A_253 : vector<16xf32>
        %convert_element_type3A_255 = arith.sitofp %convert_element_type3A_252 : vector<16xi32> to vector<16xf32>
        %sub3A_256 = arith.subf %add3A_250, %convert_element_type3A_255 : vector<16xf32>
        %min3A_257 = arith.constant 511 : i32
        %min3A_258 = vector.broadcast %min3A_257 : i32 to vector<16xi32>
        %min3A_259 = arith.minsi %convert_element_type3A_251, %min3A_258 : vector<16xi32>
        %sub3A_260 = vector.broadcast %min3A_159 : i32 to vector<16xi32>
        %sub3A_261 = arith.subi %min3A_259, %sub3A_260 : vector<16xi32>
        %add3A_262 = arith.constant 1 : i32
        %add3A_263 = vector.broadcast %add3A_262 : i32 to vector<16xi32>
        %add3A_264 = arith.addi %convert_element_type3A_251, %add3A_263 : vector<16xi32>
        %min3A_265 = arith.constant 511 : i32
        %min3A_266 = vector.broadcast %min3A_265 : i32 to vector<16xi32>
        %min3A_267 = arith.minsi %add3A_264, %min3A_266 : vector<16xi32>
        %sub3A_268 = vector.broadcast %min3A_159 : i32 to vector<16xi32>
        %sub3A_269 = arith.subi %min3A_267, %sub3A_268 : vector<16xi32>
        %min3A_270 = arith.constant 511 : i32
        %min3A_271 = vector.broadcast %min3A_270 : i32 to vector<16xi32>
        %min3A_272 = arith.minsi %convert_element_type3A_252, %min3A_271 : vector<16xi32>
        %sub3A_273 = vector.broadcast %min3A_184 : i32 to vector<16xi32>
        %sub3A_274 = arith.subi %min3A_272, %sub3A_273 : vector<16xi32>
        %add3A_275 = arith.constant 1 : i32
        %add3A_276 = vector.broadcast %add3A_275 : i32 to vector<16xi32>
        %add3A_277 = arith.addi %convert_element_type3A_252, %add3A_276 : vector<16xi32>
        %min3A_278 = arith.constant 511 : i32
        %min3A_279 = vector.broadcast %min3A_278 : i32 to vector<16xi32>
        %min3A_280 = arith.minsi %add3A_277, %min3A_279 : vector<16xi32>
        %sub3A_281 = vector.broadcast %min3A_184 : i32 to vector<16xi32>
        %sub3A_282 = arith.subi %min3A_280, %sub3A_281 : vector<16xi32>
        %gather3A = tpu.vector_load_idx %arg10[%sub3A_261, %sub3A_274] : memref<136x144xf32, #tpu.memory_space<vmem>>[vector<16xi32>, vector<16xi32>], vector<16xf32>,
        %gather3A_283 = tpu.vector_load_idx %arg10[%sub3A_261, %sub3A_282] : memref<136x144xf32, #tpu.memory_space<vmem>>[vector<16xi32>, vector<16xi32>], vector<16xf32>,
        %gather3A_284 = tpu.vector_load_idx %arg10[%sub3A_269, %sub3A_274] : memref<136x144xf32, #tpu.memory_space<vmem>>[vector<16xi32>, vector<16xi32>], vector<16xf32>,
        %gather3A_285 = tpu.vector_load_idx %arg10[%sub3A_269, %sub3A_282] : memref<136x144xf32, #tpu.memory_space<vmem>>[vector<16xi32>, vector<16xi32>], vector<16xf32>,
        %sub3A_286 = arith.subf %gather3A_283, %gather3A : vector<16xf32>
        %mul3A_287 = arith.mulf %sub3A_256, %sub3A_286 : vector<16xf32>
        %add3A_288 = arith.addf %gather3A, %mul3A_287 : vector<16xf32>
        %sub3A_289 = arith.subf %gather3A_285, %gather3A_284 : vector<16xf32>
        %mul3A_290 = arith.mulf %sub3A_256, %sub3A_289 : vector<16xf32>
        %add3A_291 = arith.addf %gather3A_284, %mul3A_290 : vector<16xf32>
        %sub3A_292 = arith.subf %add3A_291, %add3A_288 : vector<16xf32>
        %mul3A_293 = arith.mulf %sub3A_254, %sub3A_292 : vector<16xf32>
        %add3A_294 = arith.addf %add3A_288, %mul3A_293 : vector<16xf32>
        %mul3A_295 = arith.constant 32 : i32
        %mul3A_296 = vector.broadcast %mul3A_295 : i32 to vector<16xi32>
        %mul3A_297 = arith.muli %add3A_205, %mul3A_296 : vector<16xi32>
        %add3A_298 = vector.broadcast %reduce_max3A_143 : i32 to vector<16xi32>
        %add3A_299 = arith.addi %mul3A_297, %add3A_298 : vector<16xi32>
        %gather3A_300 = tpu.vector_load_idx %arg9[%add3A_299] : memref<25088xf32, #tpu.memory_space<vmem>>[vector<16xi32>], vector<16xf32>,
        %sub3A_301 = arith.subf %gather3A_300, %add3A_294 : vector<16xf32>
        %abs3A = math.absf %sub3A_301 : vector<16xf32>
        %add3A_302 = arith.addf %scan3A_201, %abs3A : vector<16xf32>
        scf.yield %add3A_302 : vector<16xf32>
      }
      %scan3A_193 = arith.constant 49 : i32
      %reduce_sum3A = arith.constant true
      %reduce_sum3A_194 = vector.broadcast %reduce_sum3A : i1 to vector<16xi1>
      %reduce_sum3A_195 = tpu.scan <sum>, %scan3A_192 masked %reduce_sum3A_194 : vector<16xf32>, vector<16xi1> -> vector<16xf32>
      %reduce_sum3A_196 = vector.extract %reduce_sum3A_195[15] : f32 from vector<16xf32>
      %mul3A_197 = arith.mulf %reduce_sum3A_196, %select_n3A_147 : f32
      %add3A_198 = arith.addf %scan3A_56, %mul3A_197 : f32
      %add3A_199 = arith.addf %scan3A_57, %select_n3A_147 : f32
      scf.yield %add3A_198, %add3A_199 : f32, f32
    }
    %scan3A_45 = arith.constant 32 : i32
    %eq3A = arith.constant 0 : i32
    %eq3A_46 = vector.broadcast %eq3A : i32 to vector<16xi32>
    %eq3A_47 = arith.cmpi eq, %iota3A, %eq3A_46 : vector<16xi32>
    %eq3A_48 = arith.constant 1 : i32
    %eq3A_49 = vector.broadcast %eq3A_48 : i32 to vector<16xi32>
    %eq3A_50 = arith.cmpi eq, %iota3A, %eq3A_49 : vector<16xi32>
    %jit3A = arith.constant 0.000000e+00 : f32
    %broadcast_in_dim3A = vector.broadcast %scan3A_44#1 : f32 to vector<16xf32>
    %broadcast_in_dim3A_51 = vector.broadcast %jit3A : f32 to vector<16xf32>
    %select_n3A = arith.select %eq3A_50, %broadcast_in_dim3A, %broadcast_in_dim3A_51 : vector<16xi1>, vector<16xf32>
    %broadcast_in_dim3A_52 = vector.broadcast %scan3A_44#0 : f32 to vector<16xf32>
    %select_n3A_53 = arith.select %eq3A_47, %broadcast_in_dim3A_52, %select_n3A : vector<16xi1>, vector<16xf32>
    %swap3A = arith.constant 0 : index
    %swap3A_54 = tpu.vector_load %arg11[%swap3A] {strides = array<i32>} : memref<16xf32, #tpu.memory_space<vmem>>, vector<16xf32>,
    tpu.vector_store %arg11[%swap3A], %select_n3A_53 {strides = array<i32>} : memref<16xf32, #tpu.memory_space<vmem>>, vector<16xf32>,
    "tpu.region"() ({
      %run_scoped3A = tpu.sem_alloc : memref<!tpu.dma_semaphore, #tpu.memory_space<semaphore_mem>>
      %dma_start3A = arith.constant 0 : i32
      %dma_start3A_55 = tpu.memref_slice %arg6[%add3A, %dma_start3A] : memref<32x16xf32, #tpu.memory_space<hbm>> -> memref<1x16xf32, #tpu.memory_space<hbm>>
      %dma_start3A_56 = tpu.memref_squeeze %dma_start3A_55 : memref<1x16xf32, #tpu.memory_space<hbm>> -> memref<16xf32, #tpu.memory_space<hbm>>
      %dma_start3A_57 = arith.constant 0 : i32
      %dma_start3A_58 = tpu.memref_slice %arg6[%add3A, %dma_start3A_57] : memref<32x16xf32, #tpu.memory_space<hbm>> -> memref<1x16xf32, #tpu.memory_space<hbm>>
      %dma_start3A_59 = tpu.memref_squeeze %dma_start3A_58 : memref<1x16xf32, #tpu.memory_space<hbm>> -> memref<16xf32, #tpu.memory_space<hbm>>
      tpu.enqueue_dma source(%arg11 : memref<16xf32, #tpu.memory_space<vmem>>) target(%dma_start3A_59 : memref<16xf32, #tpu.memory_space<hbm>>) target_semaphore(%run_scoped3A : memref<!tpu.dma_semaphore, #tpu.memory_space<semaphore_mem>>)
      %dma_wait3A = arith.constant 0 : i32
      %dma_wait3A_60 = tpu.memref_slice %arg6[%add3A, %dma_wait3A] : memref<32x16xf32, #tpu.memory_space<hbm>> -> memref<1x16xf32, #tpu.memory_space<hbm>>
      %dma_wait3A_61 = tpu.memref_squeeze %dma_wait3A_60 : memref<1x16xf32, #tpu.memory_space<hbm>> -> memref<16xf32, #tpu.memory_space<hbm>>
      %dma_wait3A_62 = arith.constant 0 : i32
      %dma_wait3A_63 = tpu.memref_slice %arg6[%add3A, %dma_wait3A_62] : memref<32x16xf32, #tpu.memory_space<hbm>> -> memref<1x16xf32, #tpu.memory_space<hbm>>
      %dma_wait3A_64 = tpu.memref_squeeze %dma_wait3A_63 : memref<1x16xf32, #tpu.memory_space<hbm>> -> memref<16xf32, #tpu.memory_space<hbm>>
      tpu.wait_dma2 semaphore(%run_scoped3A : memref<!tpu.dma_semaphore, #tpu.memory_space<semaphore_mem>>) src(%arg11 : memref<16xf32, #tpu.memory_space<vmem>>) dst(%dma_wait3A_64 : memref<16xf32, #tpu.memory_space<hbm>>)
      tpu.yield
    }) : () -> ()
    return
  }
}

module attributes {stable_mosaic.version = 14 : i64} {
  func.func @_finish(%arg0: memref<32x16xf32, #tpu.memory_space<vmem>>, %arg1: memref<1x1xf32, #tpu.memory_space<vmem>>) attributes {dimension_semantics = [], scalar_prefetch = 0 : i64, scratch_operands = 0 : i64, tpu.core_type = #tpu.core_type<tc>} {
    %get3A = arith.constant 0 : index
    %get3A_0 = arith.constant 0 : index
    %get3A_1 = vector.load %arg0[%get3A, %get3A_0] : memref<32x16xf32, #tpu.memory_space<vmem>>, vector<32x16xf32>
    %slice3A = vector.extract_strided_slice %get3A_1 {offsets = [0, 0], sizes = [32, 1], strides = [1, 1]} : vector<32x16xf32> to vector<32x1xf32>
    %reduce_sum3A = vector.shape_cast %slice3A : vector<32x1xf32> to vector<1x32x1xf32>
    %reduce_sum3A_2 = arith.constant dense<0.000000e+00> : vector<1xf32>
    %reduce_sum3A_3 = vector.multi_reduction <add>, %reduce_sum3A, %reduce_sum3A_2 [1, 2] : vector<1x32x1xf32> to vector<1xf32>
    %reduce_sum3A_4 = vector.shape_cast %reduce_sum3A_3 : vector<1xf32> to vector<1x1x1xf32>
    %reduce_sum3A_5 = vector.extract %reduce_sum3A_4[0, 0, 0] : f32 from vector<1x1x1xf32>
    %slice3A_6 = vector.extract_strided_slice %get3A_1 {offsets = [0, 1], sizes = [32, 1], strides = [1, 1]} : vector<32x16xf32> to vector<32x1xf32>
    %reduce_sum3A_7 = vector.shape_cast %slice3A_6 : vector<32x1xf32> to vector<1x32x1xf32>
    %reduce_sum3A_8 = arith.constant dense<0.000000e+00> : vector<1xf32>
    %reduce_sum3A_9 = vector.multi_reduction <add>, %reduce_sum3A_7, %reduce_sum3A_8 [1, 2] : vector<1x32x1xf32> to vector<1xf32>
    %reduce_sum3A_10 = vector.shape_cast %reduce_sum3A_9 : vector<1xf32> to vector<1x1x1xf32>
    %reduce_sum3A_11 = vector.extract %reduce_sum3A_10[0, 0, 0] : f32 from vector<1x1x1xf32>
    %mul3A = arith.constant 7.840000e+02 : f32
    %mul3A_12 = arith.mulf %reduce_sum3A_11, %mul3A : f32
    %max3A = arith.constant 1.000000e+00 : f32
    %max3A_13 = arith.maximumf %mul3A_12, %max3A : f32
    %div3A = arith.divf %reduce_sum3A_5, %max3A_13 : f32
    %broadcast_in_dim3A = vector.broadcast %div3A : f32 to vector<1x1xf32>
    %swap3A = arith.constant 0 : index
    %swap3A_14 = arith.constant 0 : index
    %swap3A_15 = vector.load %arg1[%swap3A, %swap3A_14] : memref<1x1xf32, #tpu.memory_space<vmem>>, vector<1x1xf32>
    tpu.vector_store %arg1[%swap3A, %swap3A_14], %broadcast_in_dim3A {strides = array<i32>} : memref<1x1xf32, #tpu.memory_space<vmem>>, vector<1x1xf32>,
    return
  }
}

</mosaic_0001>

<sc_bundles>
// kernel: kernel.4.cloned.1.call-start
scs
__scs_entry_jumppad:
0x0: {  	(pc) =	sbr.rel $0x88, $3  }
0x1: {  	(tag) =	ssettag $0x0;
	lr =	simm.s32 $0x1  }
0x2: {  	[smem:$0x3F9D] =	sst lr;
	_ =	strace $0xD0000000  }
0x3: {  	_ = 	snop  }
0x4: {  	_ = 	snop  }
0x5: {  	_ = 	snop  }
0x6: {  	_ = 	snop  }
0x7: {  	_ = 	snop  }
__scs_overlays_trampoline_lowered:
0x8: {  	[smem:$0x3FAC] =	sst s0  }
0x9: {  	[smem:$0x3FAD] =	sst s1  }
0xa: {  	[smem:$0x3FAE] =	sst s2  }
0xb: {  	[smem:$0x3FAF] =	sst s3  }
0xc: {  	[smem:$0x3FB0] =	sst s4  }
0xd: {  	[smem:$0x3FB1] =	sst s5  }
0xe: {  	[smem:$0x3FB2] =	sst s6  }
0xf: {  	[smem:$0x3FB3] =	sst s7  }
0x10: {  	[smem:$0x3FB4] =	sst s8  }
0x11: {  	[smem:$0x3FB5] =	sst s9;
	s0 =	simm.s32 @!p0 $0x0  }
0x12: {  	s1 =	sld [smem:$0x3F9B];
	s0 =	simm.s32 @p0 $0x1  }
0x13: {  	[smem:$0x3FB6] =	sst s0;
	s0 =	simm.s32 @!p1 $0x0  }
0x14: {  	s2 =	sld [smem:$0x3F9A];
	s0 =	simm.s32 @p1 $0x1  }
0x15: {  	[smem:$0x3FB7] =	sst s0;
	s0 =	simm.s32 @!p2 $0x0  }
0x16: {  	s3 =	sld [smem:$0x3FDB];
	s0 =	simm.s32 @p2 $0x1  }
0x17: {  	s4 =	simm.s32 $0x1BF5;
	[smem:$0x3FB9] =	sst s0  }
0x18: {  	s0 =	sld [smem:$0x3F9C];
	_ =	swait.ge [sflag:s4], $0x0  }
0x19: {  	s7 =	sld [smem:$0x3F9D]  }
0x1a: {  	s8 =	sadd.s32 $0xFFFFE003, lr  }
0x1b: {  	s9 =	sadd.s32 $0xFFFFFEF7, lr;
	s5 =	simm.s32 $0xFFFFFFFF;
	p2 =	slt.u32 s8, $0xFFFFF086  }
0x1c: {  	p1 =	slt.u32 s9, $0xF7A;
	s5 =	simm.s32 @!p2 $0x0  }
0x1d: {  	s5 =	simm.s32 @p1 $0x1;
	p0 =	seq.s32 s7, s2  }
0x1e: {  	s7 =	smul.u32 @!p0 $0xF7A, s2;
	p2 =	seq.s32 @!p0 s5, $0x0  }
0x1f: {  	s9 =	smul.u32 $0xF7A, s1;
	s8 =	simm.s32 @!p0 $0x1BF5;
	p2 =	por !p2, p0  }
0x20: {  	[sflag:s8] =	ssyncset.s32 @!p0 $0xFFFFF086;
	s6 =	sadd.s32 @!p0 s3, s7;
	s7 =	simm.s32 @!p0 $0x108  }
0x21: {  	s3 =	sadd.s32 s3, s9;
	s6 =	sadd.s32 @!p0 $0x88, s6;
	s7 =	simm.s32 @p2 $0x1082  }
0x22: {  	[simem:s7], [sflag:s8] =	dma.local @!p0 [hbm:s6], $0xF7A  }
0x23: {  	s9 =	sor.u32 $0xD0000000, s2;
	s6 =	simm.s32 $0x108;
	_ =	swait.ge @!p0 [sflag:s8], $0x0  }
0x24: {  	s3 =	sadd.s32 $0x88, s3;
	s6 =	simm.s32 @!p1 $0x1082;
	[sflag:s4] =	ssyncset.s32 $0xFFFFF086  }
0x25: {  	[simem:s6], [sflag:s4] =	dma.local [hbm:s3], $0xF7A  }
0x26: {  	[smem:$0x3F9D] =	sst s1;
	(tag) =	ssettag s2;
	_ =	strace s9  }
0x27: {  	s1 =	sld [smem:$0x3FAD]  }
0x28: {  	s2 =	sld [smem:$0x3FAE]  }
0x29: {  	s4 =	sld [smem:$0x3FB0]  }
0x2a: {  	p0 =	seq.s32 s5, $0x0;
	s5 =	sld [smem:$0x3FB1]  }
0x2b: {  	s6 =	sld [smem:$0x3FB2]  }
0x2c: {  	s7 =	sld [smem:$0x3FB3]  }
0x2d: {  	s3 =	simm.s32 $0x108;
	s8 =	sld [smem:$0x3FB4]  }
0x2e: {  	s3 =	simm.s32 @!p0 $0x1082;
	s9 =	sld [smem:$0x3FB5]  }
0x2f: {  	lr =	sadd.s32 s0, s3;
	s0 =	sld [smem:$0x3FAC]  }
0x30: {  	s3 =	sld [smem:$0x3FAF]  }
0x31: {  	[smem:$0x3FB8] =	sst s10  }
0x32: {  	s10 =	sld [smem:$0x3FB6];
	_ =	sdelay $0x3  }
0x33: {  	p0 =	seq.s32 s10, $0x1;
	s10 =	sld [smem:$0x3FB8];
	_ =	sdelay $0x3  }
0x34: {  	[smem:$0x3FB8] =	sst s10  }
0x35: {  	s10 =	sld [smem:$0x3FB7];
	_ =	sdelay $0x3  }
0x36: {  	p1 =	seq.s32 s10, $0x1;
	s10 =	sld [smem:$0x3FB8];
	_ =	sdelay $0x3  }
0x37: {  	[smem:$0x3FB8] =	sst s10  }
0x38: {  	s10 =	sld [smem:$0x3FB9]  }
0x39: {  	_ = 	snop;
	(pc) =	sbr.ind lr, $3  }
0x3a: {  	_ = 	snop  }
0x3b: {  	_ = 	snop  }
0x3c: {  	p2 =	seq.s32 s10, $0x1;
	s10 =	sld [smem:$0x3FB8]  }
0x3d: {  	_ =	shalt  }
0x3e: {  	_ =	shalt  }
0x3f: {  	_ =	shalt  }
0x40: {  	_ =	shalt  }
0x41: {  	_ =	shalt  }
0x42: {  	_ =	shalt  }
0x43: {  	_ =	shalt  }
0x44: {  	_ =	shalt  }
0x45: {  	_ =	shalt  }
0x46: {  	_ =	shalt  }
0x47: {  	_ =	shalt  }
0x48: {  	_ =	shalt  }
0x49: {  	_ =	shalt  }
0x4a: {  	_ =	shalt  }
0x4b: {  	_ =	shalt  }
0x4c: {  	_ =	shalt  }
0x4d: {  	_ =	shalt  }
0x4e: {  	_ =	shalt  }
0x4f: {  	_ =	shalt  }
0x50: {  	_ =	shalt  }
0x51: {  	_ =	shalt  }
0x52: {  	_ =	shalt  }
0x53: {  	_ =	shalt  }
0x54: {  	_ =	shalt  }
0x55: {  	_ =	shalt  }
0x56: {  	_ =	shalt  }
0x57: {  	_ =	shalt  }
0x58: {  	_ =	shalt  }
0x59: {  	_ =	shalt  }
0x5a: {  	_ =	shalt  }
0x5b: {  	_ =	shalt  }
0x5c: {  	_ =	shalt  }
0x5d: {  	_ =	shalt  }
0x5e: {  	_ =	shalt  }
0x5f: {  	_ =	shalt  }
0x60: {  	_ =	shalt  }
0x61: {  	_ =	shalt  }
0x62: {  	_ =	shalt  }
0x63: {  	_ =	shalt  }
0x64: {  	_ =	shalt  }
0x65: {  	_ =	shalt  }
0x66: {  	_ =	shalt  }
0x67: {  	_ =	shalt  }
0x68: {  	_ =	shalt  }
0x69: {  	_ =	shalt  }
0x6a: {  	_ =	shalt  }
0x6b: {  	_ =	shalt  }
0x6c: {  	_ =	shalt  }
0x6d: {  	_ =	shalt  }
0x6e: {  	_ =	shalt  }
0x6f: {  	_ =	shalt  }
0x70: {  	_ =	shalt  }
0x71: {  	_ =	shalt  }
0x72: {  	_ =	shalt  }
0x73: {  	_ =	shalt  }
0x74: {  	_ =	shalt  }
0x75: {  	_ =	shalt  }
0x76: {  	_ =	shalt  }
0x77: {  	_ =	shalt  }
0x78: {  	_ =	shalt  }
0x79: {  	_ =	shalt  }
0x7a: {  	_ =	shalt  }
0x7b: {  	_ =	shalt  }
0x7c: {  	_ =	shalt  }
0x7d: {  	_ =	shalt  }
0x7e: {  	_ =	shalt  }
0x7f: {  	_ =	shalt  }
0x80: {  	_ =	shalt  }
0x81: {  	_ =	shalt  }
0x82: {  	_ =	shalt  }
0x83: {  	_ =	shalt  }
0x84: {  	_ =	shalt  }
0x85: {  	_ =	shalt  }
0x86: {  	_ =	shalt  }
0x87: {  	_ =	shalt  }
.Lfunc_end0:
.L_simem_size_0:
called_computation.2_lowered:
.L_overlay_start_0:
0x88: {  	s2 =	sld [smem:$0x3FD9]  }
0x89: {  	s3 =	sld [smem:$0x3FFE];
	_ =	sdelay $0x1  }
0x8a: {  	s1 =	srdreg.scid  }
0x8b: {  	s0 =	sand.u32 $0x1, s1  }
0x8c: {  	s17 =	sshll.u32 s0, $0xA;
	s2 =	sadd.s32 s3, s2  }
0x8d: {  	s2 =	sadd.s32 s2, s17  }
0x8e: {  	[smem:$0x3FC4] =	sst s2  }
0x8f: {  	_ = 	snop  }
0x90: {  	s2 =	sld [smem:$0x3FD0];
	(tm) =	ssettm $0x1  }
0x91: {  	s18 =	sld [smem:$0x3FFB];
	_ =	sdelay $0x3  }
0x92: {  	_ =	strace s18  }
0x93: {  	s3 =	sld [smem:$0x3FFC];
	_ =	sdelay $0x3  }
0x94: {  	_ =	strace s3  }
0x95: {  	s3 =	sld [smem:$0x3FFD];
	_ =	sdelay $0x3  }
0x96: {  	_ =	strace s3  }
0x97: {  	_ =	strace $0x8FFFFFFF  }
0x98: {  	s19 =	sld [smem:$0x3FDB];
	_ =	sdelay $0x1  }
0x99: {  	s4 =	simm.s32 $_scs_section_size  }
0x9a: {  	s5 =	simm.s32 $_size__tile_overlayer_lowered;
	s6 =	simm.s32 $_tile_overlayer_lowered  }
0x9b: {  	s22 =	simm.s32 $0x1BFF;
	s21 =	sshll.u32 s6, $0x1;
	s3 =	sadd.s32 s4, s19  }
0x9c: {  	s7 =	simm.s32 $0x0;
	s20 =	sshll.u32 s5, $0x1;
	s5 =	sadd.s32 s21, s3  }
0x9d: {  	[timem:s7], [sflag:s22] =	dma.local [hbm:s5], s20  }
0x9e: {  	_ =	swait.ge [sflag:s22], s20  }
0x9f: {  	s4 =	ssub.s32 $0x0, s20;
	[sflag:s22] =	ssyncset.done $0x0  }
0xa0: {  	[sflag:s22] =	ssyncadd.s32 s4;
	_ =	sdelay $0x1  }
0xa1: {  	s23 =	simm.s32 $0x1B8B  }
0xa2: {  	_ =	swait.ge [sflag:s23], $0x1  }
0xa3: {  	[sflag:s23] =	ssyncset.done $0x0  }
0xa4: {  	s25 =	simm.s32 $0x1B8E;
	s24 =	sld [smem:$0x3FFE];
	[sflag:s23] =	ssyncadd.s32 $0xFFFFFFFF  }
0xa5: {  	s26 =	simm.s32 $execute0_lowered;
	[smem:$0x3FD2] =	sst s25  }
0xa6: {  	s5 =	sshll.u32 s26, $0x1;
	_ =	strace $0x8000004C;
	[dreg:$0x1] =	wrdreg $0xFFFFFFFF  }
0xa7: {  	s28 =	simm.s32 $_size_execute0_lowered;
	s3 =	sadd.s32 s3, s5;
	[dreg:$0x0] =	wrdreg $0x0  }
0xa8: {  	s5 =	sshll.u32 s28, $0x1;
	[dreg:$0x2] =	wrdreg s3  }
0xa9: {  	[dreg:$0x3] =	wrdreg s5  }
0xaa: {  	[dreg:$0x4] =	wrdreg $0xC0  }
0xab: {  	_ =	task [dreg:s7], $0x5FFFF  }
0xac: {  	[dreg:$0x1] =	wrdreg $0xFFFFFFFF  }
0xad: {  	[dreg:$0x0] =	wrdreg $0x60  }
0xae: {  	[dreg:$0x2] =	wrdreg s24  }
0xaf: {  	[dreg:$0x3] =	wrdreg s2  }
0xb0: {  	[dreg:$0x4] =	wrdreg $0x9  }
0xb1: {  	_ =	task.clear_ibuf [dreg:s7], $0x5FFFF;
	_ =	strace $0x9000004C  }
0xb2: {  	s29 =	simm.s32 $0x9;
	_ =	strace $0x8000004E  }
0xb3: {  	_ =	swait.ge [sflag:s29], $0x1  }
0xb4: {  	[sflag:s29] =	ssyncadd.s32 $0xFFFFFFFF  }
0xb5: {  	_ =	strace $0x9000004E  }
0xb6: {  	_ =	sfence  }
0xb7: {  	s30 =	sld [smem:$0x0];
	_ =	sdelay $0x2  }
0xb8: {  	s31 =	sshll.u32 s1, $0xD;
	s1 =	sshrl.u32 s1, $0x2  }
0xb9: {  	s3 =	sand.u32 $0x4000, s31;
	s1 =	sadd.s32 s1, s30  }
0xba: {  	s0 =	sor.u32 s3, s0;
	s1 =	sshll.u32 s1, $0x11  }
0xbb: {  	s0 =	sor.u32 s1, s0  }
0xbc: {  	s0 =	sadd.s32 $0x8F2B, s0  }
0xbd: {  	[sflag:s0] =	ssyncadd.remote.s32 $0x1  }
0xbe: {  	_ =	sfence.sel $0xFFFF  }
0xbf: {  	[dreg:$0x0] =	wrdreg $0xFFFFFFFF;
	(pc) =	sbr.abs _section_cstart, $3  }
0xc0: {  	[dreg:$0x1] =	wrdreg $0xFFFFFFFF  }
0xc1: {  	_ =	task.clear_ibuf [dreg:s7], $0x2FFFF;
	_ =	strace $0x9FFFFFFF  }
0xc2: {  	(tm) =	ssettm $0x7FFFFFFF  }
0xc3: {  	_ =	shalt  }
tec
execute0_lowered:
.L_overlay_start_1:
0x0: {  	(tag) =	ssettag $0x1  }
0x1: {  	s6 =	rddreg [dreg:$0x0];
	s1 =	srdreg.scid  }
0x2: {  	s0 =	stileid.u32;
	s2 =	rddreg [dreg:$0x1]  }
0x3: {  	s3 =	simm.s32 $0x0;
	s11 =	simm.s32 $0x200;
	s12 =	simm.s32 $0x90  }
0x4: {  	s13 =	simm.s32 $0x6480;
	s14 =	simm.s32 $0x280;
	s15 =	simm.s32 $0xB100  }
0x5: {  	s5 =	sand.u32 $0x1, s1;
	s4 =	sshll.u32 s0, $0x1;
	s1 =	rddreg [dreg:$0x2]  }
0x6: {  	s16 =	simm.s32 $0x0;
	[smem:$0x7FF] =	sst s3;
	s7 =	sor.u32 s5, s4  }
0x7: {  	_ =	strace $0x8000004D;
	s10 =	ssub.s32 $0x2, s5;
	s5 =	sadd.s32 $0x311000, s6  }
0x8: {  	s4 =	sshll.u32 s7, $0x6;
	s9 =	sshll.u32 s7, $0x1;
	s31 =	sshrl.u32 s10, $0x1  }
0x9: {  	s8 =	sadd.s32 s4, s6;
	s4 =	sadd.s32 $0x411800, s6;
	s9 =	sadd.s32 s9, s6  }
0xa: {  	v0 =	vlaneseq.u32;
	s10 =	ssub.s32 s10, s31;
	s6 =	sshll.u32 s7, $0x5;
	s7 =	sadd.s32 $0x411000, s8  }
0xb: {  	v1 =	vimm.s32 $0x0;
	vm0 =	vcmask $0x300;
	vm1 =	vcmask $0x704;
	s8 =	sadd.s32 $0x1000, s9;
	s9 =	smax.u32 s10, $0x1;
	s10 =	simm.s32 $0x1  }
.LBB2_1:
0xc: {  	[tilespmem:s3], [sflag:$0x1] =	stream.linear.gather [hbm4b:s7+s3], $0x200, $0x38;
	[tilespmem:$0xB110] =	vst v63  }
0xd: {  	_ =	swait.ge [sflag:s10], $0x200  }
0xe: {  	[sflag:s10] =	ssyncset.done $0x0  }
0xf: {  	[sflag:s10] =	ssyncadd.s32 $0xFFFFFE00  }
0x10: {  	[tilespmem:s11], [sflag:$0x1] =	stream.linear.gather [hbm4b:s2+s3], $0x80, $0x38;
	[tilespmem:$0xB110] =	vst v63  }
0x11: {  	_ =	swait.ge [sflag:s10], $0x80  }
0x12: {  	[sflag:s10] =	ssyncset.done $0x0  }
0x13: {  	[sflag:s10] =	ssyncadd.s32 $0xFFFFFF80  }
0x14: {  	v2 =	vld [tilespmem:$0x200]  }
0x15: {  	v3 =	vld [tilespmem:$0x210]  }
0x16: {  	v4 =	vld [tilespmem:$0x220]  }
0x17: {  	v5 =	vld [tilespmem:$0x230]  }
0x18: {  	v6 =	vld [tilespmem:$0x240]  }
0x19: {  	v7 =	vld [tilespmem:$0x250]  }
0x1a: {  	v8 =	vld [tilespmem:$0x260]  }
0x1b: {  	v9 =	vld [tilespmem:$0x270];
	_ =	sdelay $0x3  }
0x1c: {  	v10 =	vsub.f32 v6, v2;
	v11 =	vsub.f32 v8, v4  }
0x1d: {  	v12 =	vsub.f32 v7, v3;
	v13 =	vsub.f32 v9, v5;
	_ =	sdelay $0x1  }
0x1e: {  	s17 =	simm.f32 $0.0e+00;
	s18 =	simm.f32 $0.0e+00;
	s19 =	simm.s32 $0x0;
	v10 =	vmul.f32 v11, v10;
	v11 =	vmul.f32 v13, v12  }
.LBB2_2:
0x1f: {  	s20 =	sshll.u32 s19, $0x4  }
0x20: {  	s20 =	sand.u32 $0x3FFFFFF0, s20  }
0x21: {  	v12 =	vld [tilespmem:s20+$0x0];
	_ =	sdelay $0x4  }
0x22: {  	(v2sf) =	vpush v12, $0x0  }
0x23: {  	(v2sf) =	vpush v12, $0x1  }
0x24: {  	(v2sf) =	vpush v12, $0x2  }
0x25: {  	(v2sf) =	vpush v12, $0x3;
	_ =	sdelay $0xb  }
0x26: {  	v13 =	vbroadcast v12, $0x2;
	v14 =	vbroadcast v12, $0x0;
	s24 =	spop (v2sf)  }
0x27: {  	v15 =	vbroadcast v12, $0x3;
	s23 =	spop (v2sf)  }
0x28: {  	v16 =	vmin.f32 v13, v6;
	v17 =	vmax.f32 v14, v2;
	v12 =	vbroadcast v12, $0x1;
	s26 =	spop (v2sf)  }
0x29: {  	v18 =	vmin.f32 v15, v8;
	v13 =	vmin.f32 v13, v7;
	v14 =	vmax.f32 v14, v3;
	s21 =	spop (v2sf);
	s22 =	ssub.f32 s26, s24  }
0x2a: {  	v15 =	vmin.f32 v15, v9;
	v16 =	vsub.f32 v16, v17;
	v19 =	vmax.f32 v12, v4;
	s25 =	ssub.f32 s21, s23  }
0x2b: {  	v13 =	vsub.f32 v13, v14;
	v12 =	vmax.f32 v12, v5;
	v17 =	vsub.f32 v18, v19  }
0x2c: {  	v12 =	vsub.f32 v15, v12;
	s20 =	smul.f32 s25, s22  }
0x2d: {  	v14 =	vmax.f32 v16, $0.0e+00;
	v13 =	vmax.f32 v13, $0.0e+00;
	v15 =	vmax.f32 v17, $0.0e+00  }
0x2e: {  	v12 =	vmax.f32 v12, $0.0e+00;
	v14 =	vmul.f32 v15, v14;
	v16 =	vadd.f32 s20, v10  }
0x2f: {  	v12 =	vmul.f32 v12, v13;
	v15 =	vadd.f32 s20, v11  }
0x30: {  	v13 =	vsub.f32 v16, v14  }
0x31: {  	v15 =	vsub.f32 v15, v12  }
0x32: {  	v13 =	vmax.f32 v13, $1.000000010e-07  }
0x33: {  	(erf) = vrcp.f32 v13;
	v13 =	vmax.f32 v15, $1.000000010e-07  }
0x34: {  	(erf) = vrcp.f32 v13;
	_ =	sdelay $0x7  }
0x35: {  	v13 =	vpop (erf)  }
0x36: {  	v13 =	vmul.f32 v13, v14;
	v14 =	vpop (erf)  }
0x37: {  	v12 =	vmul.f32 v14, v12  }
0x38: {  	(xrf0) =	vmax.scan.msk.f32 $0xffff, v13  }
0x39: {  	(xrf0) =	vmax.scan.msk.f32 $0xffff, v12;
	_ =	sdelay $0x4  }
0x3a: {  	v14, _, _ =	vpop (xrf0)  }
0x3b: {  	(v2sf) =	vpush v14, $0xF;
	v14, _, _ =	vpop (xrf0)  }
0x3c: {  	(v2sf) =	vpush v14, $0xF;
	_ =	sdelay $0xd  }
0x3d: {  	s28 =	spop (v2sf)  }
0x3e: {  	s29 =	spop (v2sf)  }
0x3f: {  	s20 =	smax.f32 s28, s29  }
0x40: {  	vm2 =	veq.f32 v13, s20;
	vm3 =	veq.f32 v12, s20  }
0x41: {  	v12 =	vmpcnt.ones.xlane vm2;
	v13 =	vmctz.xlane vm3  }
0x42: {  	v14 =	vmctz.xlane vm2  }
0x43: {  	vm2 =	vgt.s32 v12, $0x0;
	v12 =	vadd.s32 $0x10, v13  }
0x44: {  	v12 =	vsel vm2, v14, v12  }
0x45: {  	v12 =	vxor.u32 $0x80000000, v12  }
0x46: {  	(xrf0) =	vmax.scan.msk.u32 $0xffff, v12;
	_ =	sdelay $0x4  }
0x47: {  	s21 =	simm.s32 $0x0  }
0x48: {  	v14 =	vor.u32 s21, v0;
	v12, _, _ =	vpop (xrf0)  }
0x49: {  	(v2sf) =	vpush v12, $0xF;
	v12 =	vshrl.u32 v14, $0x2  }
0x4a: {  	v12 =	vmulhi.u32 $0x24924925, v12;
	_ =	sdelay $0x1  }
0x4b: {  	v13 =	vmul.u32 $0xFFFFFFE4, v12  }
0x4c: {  	s24 =	smul.f32 $9.980468750e-01, s24;
	v16 =	vmov s21;
	v15 =	vsub.s32 $0x0, v14  }
0x4d: {  	vm2 =	veq.s32 v16, v0;
	vm3 =	vne.s32 v13, v15  }
0x4e: {  	s23 =	smul.f32 $9.980468750e-01, s23;
	s26 =	scvt.f32.s32 s24;
	vm2 =	vmand vm2, vm3  }
0x4f: {  	s25 =	smul.f32 $3.696469960e-02, s25;
	v13 =	vsel vm2, $0xFFFFFFFF, v1  }
0x50: {  	s22 =	smul.f32 $3.696469960e-02, s22;
	s28 =	sand.u32 $0xF, s26;
	v12 =	vadd.s32 v13, v12  }
0x51: {  	p0 =	slt.s32 s26, $0x1;
	s29 =	sshra.s32 s26, $0x1F;
	p1 =	sne.s32 s28, $0x0;
	v13 =	vmul.u32 $0xFFFFFFE4, v12;
	v12 =	vcvt.s32.f32 v12  }
0x52: {  	v17 =	vmov s25;
	s25 =	scvt.f32.s32 s23;
	s30 =	sshrl.u32 s29, $0x1C;
	p0 =	por !p0, !p1  }
0x53: {  	s28 =	simm.s32 $0x1;
	s26 =	sadd.s32 s30, s26;
	p0 =	por !p0, !p0;
	v13 =	vadd.s32 v14, v13;
	v12 =	vmul.f32 v12, v17  }
0x54: {  	v18 =	vmov s23;
	s26 =	sshrl.u32 s26, $0x4;
	s28 =	simm.s32 @!p0 $0x0;
	v13 =	vcvt.s32.f32 v13  }
0x55: {  	v19 =	vmov s22;
	p0 =	slt.s32 s25, $0x178;
	s26 =	ssub.s32 s26, s28;
	v24 =	vadd.f32 v12, v18  }
0x56: {  	v20 =	vmov s24;
	s25 =	simm.s32 @!p0 $0x178;
	s28 =	simm.s32 $0x10;
	s23 =	sshll.u32 s26, $0x4;
	v13 =	vmul.f32 v13, v19  }
0x57: {  	v16 =	vmov s25;
	v26 =	vor.u32 s28, v0;
	p0 =	slt.s32 s23, $0x170;
	v21 =	vtrunc.f32 v24  }
0x58: {  	v32 =	vmov s28;
	s23 =	simm.s32 @!p0 $0x170;
	v28 =	vadd.f32 v13, v20;
	v23 =	vcvt.f32.s32 v21  }
0x59: {  	v25 =	vshrl.u32 v26, $0x2;
	v31 =	vsub.s32 $0x0, v26;
	v15 =	vmov s23  }
0x5a: {  	v21 =	vtrunc.f32 v28;
	v22 =	vadd.s32 $0x1, v23;
	vm2 =	vlt.s32 v23, $0x1FF  }
0x5b: {  	v27 =	vcvt.f32.s32 v21;
	v21 =	vmulhi.u32 $0x24924925, v25;
	vm3 =	vlt.s32 v22, $0x1FF  }
0x5c: {  	v14 =	vshll.u32 v14, $0x5;
	v25 =	vnsel vm2, $0x1FF, v23;
	v22 =	vnsel vm3, $0x1FF, v22  }
0x5d: {  	v25 =	vsub.s32 v25, v16;
	v29 =	vadd.s32 $0x1, v27;
	v30 =	vmul.u32 $0xFFFFFFE4, v21  }
0x5e: {  	s29 =	sshll.u32 s25, $0x9;
	s31 =	spop (v2sf);
	v22 =	vsub.s32 v22, v16;
	v25 =	vmul.u32 $0x90, v25;
	vm2 =	vlt.s32 v29, $0x1FF  }
0x5f: {  	s23 =	sadd.s32 s29, s23;
	s22 =	sshll.u32 s31, $0x12;
	v29 =	vnsel vm2, $0x1FF, v29;
	vm2 =	veq.s32 v32, v0;
	vm3 =	vne.s32 v30, v31  }
0x60: {  	s22 =	sadd.s32 s22, s23;
	v22 =	vmul.u32 $0x90, v22;
	vm2 =	vmand vm2, vm3;
	vm3 =	vlt.s32 v27, $0x1FF  }
0x61: {  	s22 =	sshrl.u32 s22, $0x3;
	v30 =	vsub.s32 v29, v15;
	v29 =	vand.u32 $0x7, v29;
	v31 =	vsel vm2, $0xFFFFFFFF, v1  }
0x62: {  	s30 =	sadd.s32 s6, s19;
	s22 =	sadd.s32 s5, s22;
	v30 =	vand.u32 $0xFFFFFFF8, v30;
	v21 =	vadd.s32 v31, v21;
	v31 =	vnsel vm3, $0x1FF, v27  }
0x63: {  	[tilespmem:s13], [sflag:$0x1] =	stream.strided.gather [hbm4b:s22+s12], $0x4C80, s11, s12, $0x38;
	v33 =	vadd.s32 v22, v30;
	v55 =	vmul.u32 $0xFFFFFFE4, v21;
	v21 =	vcvt.s32.f32 v21;
	[tilespmem:$0xB110] =	vst v63  }
0x64: {  	s22 =	smul.u32 $0xC40, s30;
	_ =	swait.ge [sflag:s10], $0x4C80;
	v34 =	vsub.s32 v31, v15;
	v31 =	vand.u32 $0x7, v31;
	v33 =	vor.u32 v29, v33  }
0x65: {  	[sflag:s10] =	ssyncset.done $0x0;
	v34 =	vand.u32 $0xFFFFFFF8, v34;
	v32 =	vadd.s32 v26, v55;
	v21 =	vmul.f32 v21, v17  }
0x66: {  	s22 =	sadd.s32 s4, s22;
	[sflag:s10] =	ssyncadd.s32 $0xFFFFB380;
	v35 =	vadd.s32 v25, v34;
	v22 =	vadd.s32 v22, v34;
	v25 =	vadd.s32 v25, v30  }
0x67: {  	[tilespmem:s14], [sflag:$0x1] =	stream.linear.gather [hbm4b:s22+s21], $0x6200, $0x38;
	v32 =	vcvt.s32.f32 v32;
	v56 =	vor.u32 v31, v35;
	v21 =	vadd.f32 v21, v18;
	[tilespmem:$0xB110] =	vst v63  }
0x68: {  	_ =	swait.ge [sflag:s10], $0x6200;
	v30 =	vor.u32 v31, v22;
	v31 =	vor.u32 v29, v25;
	v29 =	vcvt.s32.f32 v27  }
0x69: {  	v12 =	vimm.f32 $0.0e+00;
	s26 =	sxor.u32 $0x80000000, s31;
	[sflag:s10] =	ssyncset.done $0x0;
	v32 =	vmul.f32 v32, v19;
	v22 =	vtrunc.f32 v21  }
0x6a: {  	s31 =	simm.s32 $0x20;
	v13 =	vmov s26;
	[sflag:s10] =	ssyncadd.s32 $0xFFFF9E00;
	v27 =	vcvt.s32.f32 v23;
	v22 =	vcvt.f32.s32 v22  }
0x6b: {  	v41 =	vmov s31;
	v26 =	vshll.u32 v26, $0x5;
	v33 =	vld.idx.msk [tilespmem:v33+s13+$0x0], $0xffff;
	v25 =	vadd.f32 v32, v20  }
0x6c: {  	v23 =	vadd.s32 v13, v26;
	v24 =	vsub.f32 v24, v27;
	v27 =	vld.idx.msk [tilespmem:v56+s13+$0x0], $0xffff;
	v57 =	vadd.s32 $0x1, v22  }
0x6d: {  	v29 =	vsub.f32 v28, v29;
	v31 =	vld.idx.msk [tilespmem:v31+s13+$0x0], $0xffff;
	v26 =	vtrunc.f32 v25;
	vm2 =	vlt.s32 v57, $0x1FF  }
0x6e: {  	v30 =	vld.idx.msk [tilespmem:v30+s13+$0x0], $0xffff;
	vm3 =	vlt.s32 v22, $0x1FF;
	v26 =	vcvt.f32.s32 v26;
	v28 =	vnsel vm2, $0x1FF, v57  }
0x6f: {  	v14 =	vadd.s32 v13, v14;
	v58 =	vnsel vm3, $0x1FF, v22;
	v59 =	vsub.s32 v28, v16  }
0x70: {  	v60 =	vadd.s32 $0x1, v26;
	v28 =	vor.u32 s31, v0;
	vm2 =	vlt.s32 v26, $0x1FF  }
0x71: {  	vm3 =	vlt.s32 v60, $0x1FF;
	v36 =	vshrl.u32 v28, $0x2;
	v37 =	vsub.s32 $0x0, v28  }
0x72: {  	v35 =	vmul.u32 $0x90, v59;
	v31 =	vsub.f32 v31, v27;
	v38 =	vmulhi.u32 $0x24924925, v36  }
0x73: {  	v33 =	vsub.f32 v33, v30;
	v42 =	vnsel vm2, $0x1FF, v26;
	vm2 =	veq.s32 v41, v0  }
0x74: {  	v39 =	vnsel vm3, $0x1FF, v60;
	v36 =	vsub.s32 v58, v16;
	v62 =	vmul.u32 $0xFFFFFFE4, v38  }
0x75: {  	v63 =	vsub.s32 v42, v15;
	v61 =	vsub.s32 v39, v15;
	v32 =	vand.u32 $0x7, v39  }
0x76: {  	v39 =	vand.u32 $0xFFFFFFF8, v63;
	v34 =	vand.u32 $0xFFFFFFF8, v61;
	vm3 =	vne.s32 v62, v37  }
0x77: {  	s21 =	simm.s32 $0x30;
	v40 =	vadd.s32 v35, v34;
	v37 =	vand.u32 $0x7, v42;
	vm2 =	vmand vm2, vm3  }
.LBB2_3:
0x78: {  	p0 =	sne.s32 s21, $0x300;
	v41 =	vsel vm2, $0xFFFFFFFF, v1;
	v40 =	vor.u32 v32, v40;
	v33 =	vmul.f32 v33, v29;
	s22 =	smov.u32 s21;
	s21 =	sadd.s32 $0x10, s21  }
0x79: {  	v36 =	vmul.u32 $0x90, v36;
	v29 =	vmul.f32 v31, v29;
	v38 =	vadd.s32 v41, v38  }
0x7a: {  	v31 =	vmul.u32 $0xFFFFFFE4, v38;
	v38 =	vcvt.s32.f32 v38;
	v30 =	vadd.f32 v33, v30  }
0x7b: {  	v35 =	vadd.s32 v35, v39;
	v33 =	vadd.s32 v36, v39;
	v27 =	vadd.f32 v29, v27  }
0x7c: {  	v34 =	vadd.s32 v36, v34;
	v29 =	vadd.s32 v28, v31;
	v31 =	vmul.f32 v38, v17;
	v36 =	vld.idx.msk [tilespmem:v14+s14+$0x0], $0xffff  }
0x7d: {  	v33 =	vor.u32 v37, v33;
	v30 =	vsub.f32 v30, v27;
	v14 =	vmovc v23;
	v29 =	vcvt.s32.f32 v29  }
0x7e: {  	v26 =	vcvt.s32.f32 v26;
	v35 =	vor.u32 v37, v35;
	v31 =	vadd.f32 v31, v18  }
0x7f: {  	v32 =	vor.u32 v32, v34;
	v24 =	vmul.f32 v30, v24;
	v23 =	vmul.f32 v29, v19  }
0x80: {  	v28 =	vshll.u32 v28, $0x5;
	v30 =	vcvt.s32.f32 v22;
	v29 =	vtrunc.f32 v31  }
0x81: {  	v37 =	vadd.f32 v24, v27;
	v34 =	vadd.f32 v23, v20;
	v22 =	vcvt.f32.s32 v29  }
0x82: {  	v24 =	vsub.f32 v21, v30;
	v23 =	vadd.s32 v13, v28;
	v29 =	vsub.f32 v25, v26;
	v39 =	vld.idx.msk [tilespmem:v40+s13+$0x0], $0xffff  }
0x83: {  	v21 =	vmovc v31;
	v26 =	vtrunc.f32 v34;
	v28 =	vadd.s32 $0x1, v22;
	v27 =	vld.idx.msk [tilespmem:v33+s13+$0x0], $0xffff;
	v33 =	vsub.f32 v36, v37;
	v25 =	vmovc v34  }
0x84: {  	vm2 =	vlt.s32 v22, $0x1FF;
	v26 =	vcvt.f32.s32 v26;
	vm3 =	vlt.s32 v28, $0x1FF;
	v30 =	vld.idx.msk [tilespmem:v35+s13+$0x0], $0xffff  }
0x85: {  	v31 =	vnsel vm2, $0x1FF, v22;
	v28 =	vnsel vm3, $0x1FF, v28;
	v37 =	vld.idx.msk [tilespmem:v32+s13+$0x0], $0xffff;
	v32 =	vand.u32 $0x7FFFFFFF, v33  }
0x86: {  	v33 =	vsub.s32 v28, v16;
	v34 =	vadd.s32 $0x1, v26;
	v12 =	vadd.f32 v32, v12  }
0x87: {  	v28 =	vor.u32 s22, v0;
	vm2 =	vlt.s32 v26, $0x1FF;
	vm3 =	vlt.s32 v34, $0x1FF  }
0x88: {  	v32 =	vshrl.u32 v28, $0x2;
	v41 =	vsub.s32 $0x0, v28;
	v35 =	vnsel vm3, $0x1FF, v34  }
0x89: {  	v36 =	vsub.s32 v31, v16;
	v38 =	vmulhi.u32 $0x24924925, v32;
	v31 =	vsub.s32 v35, v15  }
.Ltmp0:
0x8a: {  	v32 =	vand.u32 $0x7, v35;
	v35 =	vmul.u32 $0x90, v33;
	v34 =	vand.u32 $0xFFFFFFF8, v31;
	(pc) =	sbr.rel @p0 .LBB2_3-.Ltmp0, $4  }
0x8b: {  	v33 =	vsub.f32 v39, v30;
	v42 =	vmul.u32 $0xFFFFFFE4, v38;
	v31 =	vsub.f32 v37, v27  }
0x8c: {  	v43 =	vnsel vm2, $0x1FF, v26;
	v37 =	vmov s22;
	v40 =	vadd.s32 v35, v34  }
0x8d: {  	vm2 =	veq.s32 v37, v0;
	v37 =	vsub.s32 v43, v15;
	vm3 =	vne.s32 v42, v41  }
0x8e: {  	v39 =	vand.u32 $0xFFFFFFF8, v37;
	v37 =	vand.u32 $0x7, v43;
	vm2 =	vmand vm2, vm3  }
0x8f: {  	v41 =	vsel vm2, $0xFFFFFFFF, v1  }
0x90: {  	v38 =	vadd.s32 v41, v38  }
0x91: {  	v41 =	vmul.u32 $0xFFFFFFE4, v38;
	v38 =	vcvt.s32.f32 v38;
	_ =	sdelay $0x1  }
0x92: {  	v41 =	vadd.s32 v28, v41;
	v17 =	vmul.f32 v38, v17  }
0x93: {  	v59 =	vcvt.s32.f32 v41  }
0x94: {  	v17 =	vadd.f32 v17, v18  }
0x95: {  	v61 =	vmul.u32 $0x90, v36;
	v60 =	vmul.f32 v59, v19  }
0x96: {  	v35 =	vadd.s32 v35, v39;
	v62 =	vtrunc.f32 v17  }
0x97: {  	v41 =	vadd.s32 v61, v39;
	v18 =	vadd.f32 v60, v20;
	v36 =	vcvt.f32.s32 v62  }
0x98: {  	v63 =	vor.u32 v32, v40;
	v35 =	vor.u32 v37, v35;
	v38 =	vor.u32 v37, v41  }
0x99: {  	v19 =	vadd.s32 v61, v34;
	v42 =	vtrunc.f32 v18;
	v43 =	vadd.s32 $0x1, v36  }
0x9a: {  	vm3 =	vlt.s32 v36, $0x1FF;
	v34 =	vcvt.f32.s32 v42;
	vm2 =	vlt.s32 v43, $0x1FF  }
0x9b: {  	v19 =	vor.u32 v32, v19;
	v46 =	vnsel vm3, $0x1FF, v36;
	v44 =	vnsel vm2, $0x1FF, v43  }
0x9c: {  	v47 =	vsub.s32 v46, v16;
	v45 =	vadd.s32 $0x1, v34;
	vm3 =	vlt.s32 v34, $0x1FF  }
0x9d: {  	v32 =	vsub.s32 v44, v16;
	vm2 =	vlt.s32 v45, $0x1FF;
	v49 =	vnsel vm3, $0x1FF, v34  }
0x9e: {  	v16 =	vmul.u32 $0x90, v47;
	v37 =	vnsel vm2, $0x1FF, v45;
	v50 =	vsub.s32 v49, v15  }
0x9f: {  	v32 =	vmul.u32 $0x90, v32;
	v48 =	vsub.s32 v37, v15;
	v15 =	vand.u32 $0xFFFFFFF8, v50  }
0xa0: {  	v40 =	vand.u32 $0x7, v49;
	v42 =	vadd.s32 v16, v15  }
0xa1: {  	v39 =	vand.u32 $0xFFFFFFF8, v48;
	v15 =	vadd.s32 v32, v15;
	v52 =	vor.u32 v40, v42  }
0xa2: {  	v35 =	vld.idx.msk [tilespmem:v35+s13+$0x0], $0xffff;
	v37 =	vand.u32 $0x7, v37;
	v51 =	vadd.s32 v32, v39;
	v15 =	vor.u32 v40, v15  }
0xa3: {  	v20 =	vld.idx.msk [tilespmem:v63+s13+$0x0], $0xffff;
	v16 =	vadd.s32 v16, v39;
	v41 =	vor.u32 v37, v51  }
0xa4: {  	v38 =	vld.idx.msk [tilespmem:v38+s13+$0x0], $0xffff;
	v16 =	vor.u32 v37, v16  }
0xa5: {  	v19 =	vld.idx.msk [tilespmem:v19+s13+$0x0], $0xffff  }
0xa6: {  	v32 =	vld.idx.msk [tilespmem:v52+s13+$0x0], $0xffff  }
0xa7: {  	v15 =	vld.idx.msk [tilespmem:v15+s13+$0x0], $0xffff  }
0xa8: {  	v26 =	vcvt.s32.f32 v26;
	v53 =	vld.idx.msk [tilespmem:v41+s13+$0x0], $0xffff  }
0xa9: {  	v16 =	vld.idx.msk [tilespmem:v16+s13+$0x0], $0xffff  }
0xaa: {  	v33 =	vmul.f32 v33, v29;
	v54 =	vmul.f32 v31, v29;
	v25 =	vsub.f32 v25, v26  }
0xab: {  	v20 =	vsub.f32 v20, v35;
	v55 =	vcvt.s32.f32 v34;
	v19 =	vsub.f32 v19, v38  }
0xac: {  	v56 =	vshll.u32 v28, $0x5;
	v30 =	vadd.f32 v33, v30;
	v27 =	vadd.f32 v54, v27  }
0xad: {  	v20 =	vmul.f32 v20, v25;
	v18 =	vsub.f32 v18, v55;
	v19 =	vmul.f32 v19, v25  }
0xae: {  	v22 =	vcvt.s32.f32 v22;
	v16 =	vsub.f32 v16, v32;
	v57 =	vsub.f32 v53, v15  }
0xaf: {  	v13 =	vadd.s32 v13, v56;
	v20 =	vadd.f32 v20, v35;
	v19 =	vadd.f32 v19, v38  }
0xb0: {  	v29 =	vsub.f32 v30, v27;
	v58 =	vmul.f32 v57, v18;
	v16 =	vmul.f32 v16, v18  }
0xb1: {  	v14 =	vld.idx.msk [tilespmem:v14+s14+$0x0], $0xffff;
	v21 =	vsub.f32 v21, v22;
	v60 =	vcvt.s32.f32 v36;
	v20 =	vsub.f32 v20, v19  }
0xb2: {  	v59 =	vmul.f32 v29, v24;
	v15 =	vadd.f32 v58, v15;
	v16 =	vadd.f32 v16, v32  }
0xb3: {  	v23 =	vld.idx.msk [tilespmem:v23+s14+$0x0], $0xffff;
	v17 =	vsub.f32 v17, v60  }
0xb4: {  	v20 =	vmul.f32 v20, v21;
	v18 =	vadd.f32 v59, v27;
	v15 =	vsub.f32 v15, v16  }
0xb5: {  	v13 =	vld.idx.msk [tilespmem:v13+s14+$0x0], $0xffff  }
0xb6: {  	v61 =	vadd.f32 v20, v19;
	v14 =	vsub.f32 v14, v18;
	v15 =	vmul.f32 v15, v17;
	_ =	sdelay $0x1  }
0xb7: {  	v62 =	vsub.f32 v23, v61;
	v14 =	vand.u32 $0x7FFFFFFF, v14;
	v15 =	vadd.f32 v15, v16  }
0xb8: {  	v12 =	vadd.f32 v14, v12  }
0xb9: {  	v63 =	vand.u32 $0x7FFFFFFF, v62;
	v13 =	vsub.f32 v13, v15  }
0xba: {  	v12 =	vadd.f32 v63, v12  }
0xbb: {  	v13 =	vand.u32 $0x7FFFFFFF, v13  }
0xbc: {  	v12 =	vadd.f32 v13, v12;
	_ =	sdelay $0x1  }
0xbd: {  	(xrf2) =	vadd.scan.msk.f32 $0xffff, v12;
	_ =	sdelay $0x9  }
0xbe: {  	v12, _, _ =	vpop (xrf2)  }
0xbf: {  	(v2sf) =	vpush v12, $0xF;
	_ =	sdelay $0xa  }
0xc0: {  	p0 =	sge.f32 s20, $5.000000000e-01  }
0xc1: {  	s20 =	simm.f32 $1.000000000e+00;
	s19 =	sadd.s32 $0x1, s19  }
0xc2: {  	s20 =	simm.s32 @!p0 $0x0;
	p0 =	sne.s32 s19, $0x20  }
.Ltmp1:
0xc3: {  	_ = 	snop;
	(pc) =	sbr.rel @p0 .LBB2_2-.Ltmp1, $4  }
0xc4: {  	s21 =	spop (v2sf)  }
0xc5: {  	s21 =	smul.f32 s21, s20  }
0xc6: {  	s17 =	sadd.f32 s20, s17  }
0xc7: {  	s18 =	sadd.f32 s21, s18  }
0xc8: {  	_ = 	snop  }
0xc9: {  	v2 =	vmov s18  }
0xca: {  	s16 =	sadd.s32 $0x1, s16;
	v2 =	vnsel vm0, $0x0, v2  }
0xcb: {  	p0 =	sne.s32 s16, s9;
	v2 =	vsel vm1, s17, v2  }
.Ltmp2:
0xcc: {  	[tilespmem:$0xB100] =	vst v2;
	(pc) =	sbr.rel @p0 .LBB2_1-.Ltmp2, $4  }
0xcd: {  	[hbm4b:s8+s3] =	stream.linear.scatter [tilespmem:s15], [sflag:$0x1], $0x10, $0x38;
	[tilespmem:$0xB110] =	vst v63  }
0xce: {  	_ =	swait.ge [sflag:s10], $0x10  }
0xcf: {  	[sflag:s10] =	ssyncset.done $0x0  }
0xd0: {  	[sflag:s10] =	ssyncadd.s32 $0xFFFFFFF0  }
0xd1: {  	_ =	sfence.sel $0x180000  }
0xd2: {  	[bflag:$0x0] =	sbarrier.arrive $0xFFFF  }
0xd3: {  	p0 =	sne.s32 s0, $0x0;
	_ =	strace $0x9000004D  }
0xd4: {  	s0 =	sadd.s32 @!p0 $0x100000, s1;
	[bflag:$0x2] =	sbarrier.arrive $0xFFFF  }
0xd5: {  	[sflag:s0] =	ssyncadd.tile.s32 @!p0 $0x1;
	_ =	shalt  }
.Lfunc_end2:
_tile_overlayer_lowered:
.L_overlay_start_2:
0xd6: {  	(tag) =	ssettag $0x2  }
0xd7: {  	s0 =	rddreg [dreg:$0x0];
	s2 =	stileid.u32  }
0xd8: {  	s1 =	rddreg [dreg:$0x1];
	p0 =	sne.s32 s2, $0x0  }
0xd9: {  	s3 =	rddreg [dreg:$0x2];
	[bflag:$0x3] =	sbarrier.arrive $0xFFFF;
	s2 =	simm.s32 @!p0 $0x1C01  }
0xda: {  	[timem:s3], [sflag:s2] =	dma.local @!p0 [hbm:s0], s1  }
0xdb: {  	s0 =	simm.s32 @!p0 $0x1  }
0xdc: {  	_ =	swait.ge @!p0 [sflag:s0], s1  }
0xdd: {  	s1 =	ssub.s32 @!p0 $0x0, s1;
	[sflag:s0] =	ssyncset.done @!p0 $0x0  }
0xde: {  	[sflag:s0] =	ssyncadd.s32 @!p0 s1  }
0xdf: {  	[bflag:$0x3] =	sbarrier.arrive $0xFFFF  }
0xe0: {  	_ =	shalt  }

// kernel: sparse-core-data-format-call.1.cloned.1.call-start
scs
called_computation.1_lowered:
.L_overlay_start_0:
0x0: {  	s2 =	sld [smem:$0x3FD9]  }
0x1: {  	s3 =	sld [smem:$0x3FFE];
	_ =	sdelay $0x1  }
0x2: {  	s1 =	srdreg.scid  }
0x3: {  	s0 =	sand.u32 $0x1, s1  }
0x4: {  	s18 =	sshll.u32 s0, $0xA;
	s2 =	sadd.s32 s3, s2  }
0x5: {  	s2 =	sadd.s32 s2, s18  }
0x6: {  	[smem:$0x3FC4] =	sst s2  }
0x7: {  	_ = 	snop  }
0x8: {  	s2 =	sld [smem:$0x3FC8];
	(tm) =	ssettm $0x1  }
0x9: {  	s19 =	sld [smem:$0x3FFB];
	_ =	sdelay $0x3  }
0xa: {  	_ =	strace s19  }
0xb: {  	s3 =	sld [smem:$0x3FFC];
	_ =	sdelay $0x3  }
0xc: {  	_ =	strace s3  }
0xd: {  	s3 =	sld [smem:$0x3FFD];
	_ =	sdelay $0x3  }
0xe: {  	_ =	strace s3  }
0xf: {  	_ =	strace $0x8FFFFFFF  }
0x10: {  	s20 =	sld [smem:$0x3FDB];
	_ =	sdelay $0x1  }
0x11: {  	s4 =	simm.s32 $_scs_section_size  }
0x12: {  	s5 =	simm.s32 $_size__tile_overlayer_lowered;
	s6 =	simm.s32 $_tile_overlayer_lowered  }
0x13: {  	s23 =	simm.s32 $0x1BFF;
	s22 =	sshll.u32 s6, $0x1;
	s3 =	sadd.s32 s4, s20  }
0x14: {  	s7 =	simm.s32 $0x0;
	s21 =	sshll.u32 s5, $0x1;
	s5 =	sadd.s32 s22, s3  }
0x15: {  	[timem:s7], [sflag:s23] =	dma.local [hbm:s5], s21  }
0x16: {  	_ =	swait.ge [sflag:s23], s21  }
0x17: {  	s4 =	ssub.s32 $0x0, s21;
	[sflag:s23] =	ssyncset.done $0x0  }
0x18: {  	[sflag:s23] =	ssyncadd.s32 s4;
	_ =	sdelay $0x1  }
0x19: {  	s24 =	simm.s32 $0x1B8B  }
0x1a: {  	_ =	swait.ge [sflag:s24], $0x1  }
0x1b: {  	[sflag:s24] =	ssyncset.done $0x0  }
0x1c: {  	s26 =	simm.s32 $0x1B8E;
	s25 =	sld [smem:$0x3FFE];
	[sflag:s24] =	ssyncadd.s32 $0xFFFFFFFF  }
0x1d: {  	s27 =	simm.s32 $execute0_lowered;
	[smem:$0x3FD2] =	sst s26  }
0x1e: {  	s5 =	sshll.u32 s27, $0x1;
	_ =	strace $0x80000046;
	[dreg:$0x1] =	wrdreg $0xFFFFFFFF  }
0x1f: {  	s28 =	simm.s32 $_size_execute0_lowered;
	s3 =	sadd.s32 s3, s5;
	[dreg:$0x0] =	wrdreg $0x0  }
0x20: {  	s5 =	sshll.u32 s28, $0x1;
	[dreg:$0x2] =	wrdreg s3  }
0x21: {  	[dreg:$0x3] =	wrdreg s5  }
0x22: {  	[dreg:$0x4] =	wrdreg $0xC0  }
0x23: {  	_ =	task [dreg:s7], $0x5FFFF  }
0x24: {  	[dreg:$0x1] =	wrdreg $0xFFFFFFFF  }
0x25: {  	[dreg:$0x0] =	wrdreg $0x60  }
0x26: {  	[dreg:$0x2] =	wrdreg s2  }
0x27: {  	[dreg:$0x3] =	wrdreg s25  }
0x28: {  	[dreg:$0x4] =	wrdreg $0xA  }
0x29: {  	_ =	task.clear_ibuf [dreg:s7], $0x5FFFF;
	_ =	strace $0x90000046  }
0x2a: {  	s29 =	simm.s32 $0xA;
	_ =	strace $0x80000048  }
0x2b: {  	_ =	swait.ge [sflag:s29], $0x1  }
0x2c: {  	[sflag:s29] =	ssyncadd.s32 $0xFFFFFFFF  }
0x2d: {  	_ =	strace $0x90000048  }
0x2e: {  	_ =	sfence  }
0x2f: {  	s30 =	sld [smem:$0x0];
	_ =	sdelay $0x2  }
0x30: {  	s31 =	sshll.u32 s1, $0xD;
	s1 =	sshrl.u32 s1, $0x2  }
0x31: {  	s3 =	sand.u32 $0x4000, s31;
	s1 =	sadd.s32 s1, s30  }
0x32: {  	s0 =	sor.u32 s3, s0;
	s1 =	sshll.u32 s1, $0x11  }
0x33: {  	s0 =	sor.u32 s1, s0  }
0x34: {  	s0 =	sadd.s32 $0x8F2B, s0  }
0x35: {  	[sflag:s0] =	ssyncadd.remote.s32 $0x1  }
0x36: {  	_ =	sfence.sel $0xFFFF  }
0x37: {  	[dreg:$0x0] =	wrdreg $0xFFFFFFFF;
	(pc) =	sbr.abs _section_cstart, $3  }
0x38: {  	[dreg:$0x1] =	wrdreg $0xFFFFFFFF  }
0x39: {  	_ =	task.clear_ibuf [dreg:s7], $0x2FFFF;
	_ =	strace $0x9FFFFFFF  }
0x3a: {  	(tm) =	ssettm $0x7FFFFFFF  }
0x3b: {  	_ =	shalt  }
tec
execute0_lowered:
.L_overlay_start_1:
0x0: {  	(tag) =	ssettag $0x1  }
0x1: {  	s2 =	rddreg [dreg:$0x0]  }
0x2: {  	s0 =	srdreg.scid;
	s7 =	rddreg [dreg:$0x1]  }
0x3: {  	s31 =	simm.s32 $0x2;
	s14 =	simm.s32 $0x0;
	s1 =	sshll.u32 s0, $0x4  }
0x4: {  	s13 =	simm.s32 $0x0;
	s0 =	stileid.u32;
	s1 =	sand.u32 $0x10, s1  }
0x5: {  	s12 =	simm.s32 $0x0;
	s30 =	sshll.u32 s0, $0x7;
	s8 =	sor.u32 s0, s1  }
0x6: {  	s3 =	sand.u32 $0x180, s30;
	s1 =	rddreg [dreg:$0x2];
	s4 =	sshll.u32 s8, $0x5  }
0x7: {  	_ =	strace $0x80000047;
	s5 =	ssub.s32 $0x6200, s3;
	s4 =	sand.u32 $0x380, s4  }
0x8: {  	s6 =	sand.u32 $0x180, s5;
	s11 =	sshrl.u32 s5, $0x9;
	s9 =	ssub.s32 $0x400, s4  }
0x9: {  	p0 =	sne.s32 s6, $0x0;
	s6 =	simm.s32 $0x1;
	s10 =	sand.u32 $0x380, s9  }
0xa: {  	s6 =	simm.s32 @!p0 $0x0;
	p0 =	sne.s32 s10, $0x0;
	s10 =	simm.s32 $0x1  }
.Ltmp0:
0xb: {  	s9 =	sshrl.u32 s9, $0xA;
	s10 =	simm.s32 @!p0 $0x0;
	(pc) =	sbr.rel .LBB1_1-.Ltmp0, $4  }
0xc: {  	s5 =	simm.s32 $0x1;
	s6 =	sadd.s32 s6, s11;
	s9 =	sadd.s32 s10, s9  }
0xd: {  	s7 =	sadd.s32 $0x1000, s7;
	[sflag:s5] =	ssyncpa.u1 $0x0;
	s6 =	smul.u32 s6, s9  }
0xe: {  	s8 =	sshll.u32 s8, $0x8;
	[sflag:s31] =	ssyncpa.u1 $0x0;
	s11 =	smov.u32 s3  }
0xf: {  	p0 =	por $0x0, $0x0;
	s10 =	simm.s32 $0x31000;
	s9 =	sadd.s32 $0x1, s6  }
.LBB1_4:
0x10: {  	s14 =	sshrl.u32 s14, $0x3  }
0x11: {  	s20 =	sshll.u32 s13, $0x3;
	s14 =	smul.u32 $0x31000, s14  }
0x12: {  	v5 =	vld [tilespmem:s18+$0xFFFFFFD0];
	[tilespmem:s17+$0x2040 ss:$0x81] =	vst.msk $0xffff, v4;
	s20 =	sand.u32 $0xFFFFFC00, s20  }
0x13: {  	v58 =	vld [tilespmem:s18+$0xFFFFFFE0];
	[tilespmem:s17+$0x2850 ss:$0x81] =	vst.msk $0xffff, v3;
	s30 =	sand.u32 $0x7F, s13;
	s14 =	sadd.s32 s20, s14  }
0x14: {  	s19 =	sshra.s32 s19, $0x2;
	v59 =	vld [tilespmem:s18+$0xFFFFFFF0];
	[tilespmem:s17+$0x3060 ss:$0x81] =	vst.msk $0xffff, v2;
	s13 =	sor.u32 s30, s14  }
0x15: {  	v60 =	vld [tilespmem:s18+$0x0];
	[tilespmem:s17+$0x0 ss:$0x81] =	vst.msk $0xffff, v0;
	s16 =	sadd.s32 s19, s16;
	s31 =	smulhi.u32 $0x5397829D, s13  }
0x16: {  	v61 =	vld [tilespmem:s18+$0x10];
	[tilespmem:s16+$0x3870 ss:$0x81] =	vst.msk $0xffff, v1  }
0x17: {  	v62 =	vld [tilespmem:s18+$0x20];
	s14 =	smulhi.u32 $0x5397829D, s14;
	[tilespmem:s16+$0x810 ss:$0x81] =	vst.msk $0xffff, v5;
	s17 =	sshrl.u32 s31, $0xD  }
0x18: {  	v63 =	vld [tilespmem:s18+$0xFFFFFFC0];
	[tilespmem:s16+$0x1020 ss:$0x81] =	vst.msk $0xffff, v58;
	s17 =	smul.u32 $0x6200, s17  }
0x19: {  	[tilespmem:s16+$0x1830 ss:$0x81] =	vst.msk $0xffff, v59;
	s14 =	sshrl.u32 s14, $0xD  }
0x1a: {  	[tilespmem:s16+$0x2040 ss:$0x81] =	vst.msk $0xffff, v60;
	s14 =	sand.u32 $0x3FF, s14;
	s13 =	ssub.s32 s13, s17  }
0x1b: {  	[tilespmem:s16+$0x2850 ss:$0x81] =	vst.msk $0xffff, v61;
	s14 =	smul.u32 $0xC40, s14;
	s17 =	sshrl.u32 s13, $0x3;
	s13 =	sand.u32 $0x7, s13  }
0x1c: {  	[tilespmem:s16+$0x3060 ss:$0x81] =	vst.msk $0xffff, v62;
	s17 =	sadd.s32 s7, s17;
	s13 =	sshll.u32 s13, $0x12  }
0x1d: {  	[tilespmem:s16+$0x0 ss:$0x81] =	vst.msk $0xffff, v63;
	s14 =	sadd.s32 s14, s17;
	s13 =	sor.u32 $0x400, s13  }
0x1e: {  	[hbm4b:s14+s13] =	stream.strided.scatter [tilespmem:s15], [sflag:$0x2], $0x4000, s10, s13, $0x20;
	[tilespmem:$0x10100] =	vst v63  }
.LBB1_5:
0x1f: {  	s15 =	sadd.s32 $0x200, s11  }
0x20: {  	p2 =	sgt.s32 s15, $0x61FF  }
0x21: {  	s15 =	smov.u32 @p2 s3;
	p2 =	sne.s32 s12, s9  }
.Ltmp1:
0x22: {  	p1 =	slt.u32 s12, $0x2;
	(pc) =	sbr.rel @!p2 .LBB1_6-.Ltmp1, $4  }
0x23: {  	s14 =	simm.s32 @!p1 $0x2  }
0x24: {  	s16 =	sadd.s32 $0x1, s12;
	s13 =	smov.u32 s11;
	_ =	swait.ge @!p1 [sflag:s14], $0x4000  }
0x25: {  	p0 =	por !p0, !p0;
	s12 =	smov.u32 s16;
	[sflag:s14] =	ssyncset.done @!p1 $0x0  }
0x26: {  	s11 =	smov.u32 s15;
	[sflag:s14] =	ssyncadd.s32 @!p1 $0xFFFFC000;
	s14 =	smov.u32 s4  }
.LBB1_1:
0x27: {  	p1 =	sge.u32 s12, s6  }
0x28: {  	s15 =	sshll.u32 @!p1 s11, $0xA  }
0x29: {  	s15 =	sand.u32 @!p1 $0xFFFFE000, s15  }
0x2a: {  	s15 =	sor.u32 @!p1 s8, s15  }
0x2b: {  	s15 =	sshrl.u32 @!p1 s15, $0xA  }
0x2c: {  	s16 =	smulhi.u32 @!p1 $0x539783, s15;
	_ =	sdelay $0x1  }
0x2d: {  	s16 =	sshrl.u32 @!p1 s16, $0x5  }
0x2e: {  	s16 =	smul.u32 @!p1 $0x6200, s16  }
0x2f: {  	s31 =	sadd.s32 $0xFFFFFFFF, s12;
	s17 =	sxor.u32 @!p1 $0xFFFFFFFF, s12;
	s18 =	sshll.u32 @!p1 s11, $0x4  }
0x30: {  	s17 =	sshll.u32 @!p1 s17, $0xE;
	s15 =	ssub.s32 @!p1 s15, s16;
	s16 =	sand.u32 @!p1 $0x70, s18  }
0x31: {  	s17 =	sand.u32 @!p1 $0x4000, s17;
	s15 =	sshll.u32 @!p1 s15, $0x7;
	s16 =	sadd.s32 @!p1 s2, s16  }
0x32: {  	s18 =	simm.s32 @!p1 $0x2000;
	s15 =	sadd.s32 @!p1 s15, s16;
	s16 =	simm.s32 @!p1 $0x400  }
0x33: {  	[tilespmem:s17], [sflag:$0x1] =	stream.strided.gather @!p1 [hbm4b:s15+s16], $0x4000, s18, s16, $0x38;
	[tilespmem:$0x10100] =	vst v63  }
0x34: {  	p1 =	sge.u32 s31, s6  }
.Ltmp2:
0x35: {  	_ = 	snop;
	(pc) =	sbr.rel @p1 .LBB1_5-.Ltmp2, $1  }
0x36: {  	_ =	sdelay $0x3  }
0x37: {  	s15 =	simm.s32 $0x1  }
0x38: {  	_ =	swait.ge [sflag:s5], $0x4000;
	s15 =	simm.s32 @!p0 $0x0  }
0x39: {  	[sflag:s5] =	ssyncset.done $0x0;
	s16 =	sshll.u32 s15, $0xE  }
0x3a: {  	[sflag:s5] =	ssyncadd.s32 $0xFFFFC000;
	s18 =	sor.u32 $0x40, s16  }
0x3b: {  	s15 =	smul.u32 $0x10200, s15;
	v0 =	vld [tilespmem:s18+$0x30]  }
0x3c: {  	v1 =	vld [tilespmem:s18+$0xFFFFFFD0]  }
0x3d: {  	s15 =	sshrl.u32 s15, $0x2;
	v5 =	vld [tilespmem:s18+$0xFFFFFFE0]  }
0x3e: {  	v6 =	vld [tilespmem:s18+$0xFFFFFFF0];
	s16 =	sor.u32 $0x8000, s15  }
0x3f: {  	s31 =	sand.u32 $0x1, s12;
	v4 =	vld [tilespmem:s18+$0x0];
	s17 =	sadd.s32 $0x0, s16  }
0x40: {  	v3 =	vld [tilespmem:s18+$0x10];
	s15 =	smul.u32 $0x10200, s31;
	[tilespmem:s17+$0x3870 ss:$0x81] =	vst.msk $0xffff, v0  }
0x41: {  	v2 =	vld [tilespmem:s18+$0x20];
	[tilespmem:s17+$0x810 ss:$0x81] =	vst.msk $0xffff, v1  }
0x42: {  	s15 =	sshrl.u32 s15, $0x2;
	v0 =	vld [tilespmem:s18+$0xFFFFFFC0];
	[tilespmem:s17+$0x1020 ss:$0x81] =	vst.msk $0xffff, v5;
	s18 =	sadd.s32 $0x80, s18  }
0x43: {  	s19 =	simm.s32 $0x4;
	s20 =	simm.s32 $0x8;
	s15 =	sor.u32 $0x8000, s15;
	[tilespmem:s17+$0x1830 ss:$0x81] =	vst.msk $0xffff, v6;
	v1 =	vld [tilespmem:s18+$0x30]  }
.LBB1_3:
0x44: {  	p1 =	sne.s32 s20, $0x1FC;
	v5 =	vld [tilespmem:s18+$0xFFFFFFD0];
	[tilespmem:s17+$0x2040 ss:$0x81] =	vst.msk $0xffff, v4  }
0x45: {  	v6 =	vld [tilespmem:s18+$0xFFFFFFE0];
	[tilespmem:s17+$0x2850 ss:$0x81] =	vst.msk $0xffff, v3  }
0x46: {  	s21 =	sshra.s32 s19, $0x2;
	s19 =	smov.u32 s20;
	v7 =	vld [tilespmem:s18+$0xFFFFFFF0];
	[tilespmem:s17+$0x3060 ss:$0x81] =	vst.msk $0xffff, v2  }
.Ltmp3:
0x47: {  	v4 =	vld [tilespmem:s18+$0x0];
	[tilespmem:s17+$0x0 ss:$0x81] =	vst.msk $0xffff, v0;
	s17 =	sadd.s32 s21, s16;
	(pc) =	sbr.rel @p1 .LBB1_3-.Ltmp3, $4  }
0x48: {  	v3 =	vld [tilespmem:s18+$0x10];
	[tilespmem:s17+$0x3870 ss:$0x81] =	vst.msk $0xffff, v1  }
0x49: {  	[tilespmem:s17+$0x810 ss:$0x81] =	vst.msk $0xffff, v5;
	v2 =	vld [tilespmem:s18+$0x20]  }
0x4a: {  	v0 =	vld [tilespmem:s18+$0xFFFFFFC0];
	[tilespmem:s17+$0x1020 ss:$0x81] =	vst.msk $0xffff, v6;
	s18 =	sadd.s32 $0x80, s18  }
0x4b: {  	s20 =	sadd.s32 $0x4, s20;
	v1 =	vld [tilespmem:s18+$0x30];
	[tilespmem:s17+$0x1830 ss:$0x81] =	vst.msk $0xffff, v7  }
.Ltmp4:
0x4c: {  	_ = 	snop;
	(pc) =	sbr.rel .LBB1_4-.Ltmp4, $1  }
0x4d: {  	_ =	sdelay $0x3  }
.LBB1_6:
0x4e: {  	_ =	sfence.sel $0x180000  }
0x4f: {  	s2 =	simm.s32 $0x1;
	[bflag:$0x0] =	sbarrier.arrive $0xFFFF  }
0x50: {  	s31 =	simm.s32 $0x2;
	[sflag:s2] =	ssyncpa.u1 $0x1  }
0x51: {  	[sflag:s31] =	ssyncpa.u1 $0x1  }
0x52: {  	p0 =	sne.s32 s0, $0x0;
	_ =	strace $0x90000047  }
0x53: {  	s0 =	sadd.s32 @!p0 $0x100000, s1;
	[bflag:$0x2] =	sbarrier.arrive $0xFFFF  }
0x54: {  	[sflag:s0] =	ssyncadd.tile.s32 @!p0 $0x1;
	_ =	shalt  }
.Lfunc_end1:
_tile_overlayer_lowered:
.L_overlay_start_2:
0x55: {  	(tag) =	ssettag $0x2  }
0x56: {  	s0 =	rddreg [dreg:$0x0];
	s2 =	stileid.u32  }
0x57: {  	s1 =	rddreg [dreg:$0x1];
	p0 =	sne.s32 s2, $0x0  }
0x58: {  	s3 =	rddreg [dreg:$0x2];
	[bflag:$0x3] =	sbarrier.arrive $0xFFFF;
	s2 =	simm.s32 @!p0 $0x1C01  }
0x59: {  	[timem:s3], [sflag:s2] =	dma.local @!p0 [hbm:s0], s1  }
0x5a: {  	s0 =	simm.s32 @!p0 $0x1  }
0x5b: {  	_ =	swait.ge @!p0 [sflag:s0], s1  }
0x5c: {  	s1 =	ssub.s32 @!p0 $0x0, s1;
	[sflag:s0] =	ssyncset.done @!p0 $0x0  }
0x5d: {  	[sflag:s0] =	ssyncadd.s32 @!p0 s1  }
0x5e: {  	[bflag:$0x3] =	sbarrier.arrive $0xFFFF  }
0x5f: {  	_ =	shalt  }

// kernel: sparse-core-data-format-call.cloned.1.call-start
scs
called_computation_lowered:
.L_overlay_start_0:
0x0: {  	s2 =	sld [smem:$0x3FD9]  }
0x1: {  	s3 =	sld [smem:$0x3FFE];
	_ =	sdelay $0x1  }
0x2: {  	s1 =	srdreg.scid  }
0x3: {  	s0 =	sand.u32 $0x1, s1  }
0x4: {  	s18 =	sshll.u32 s0, $0xA;
	s2 =	sadd.s32 s3, s2  }
0x5: {  	s2 =	sadd.s32 s2, s18  }
0x6: {  	[smem:$0x3FC4] =	sst s2  }
0x7: {  	_ = 	snop  }
0x8: {  	s19 =	sld [smem:$0x3FC6];
	(tm) =	ssettm $0x1  }
0x9: {  	s20 =	sld [smem:$0x3FFB];
	_ =	sdelay $0x3  }
0xa: {  	_ =	strace s20  }
0xb: {  	s2 =	sld [smem:$0x3FFC];
	_ =	sdelay $0x3  }
0xc: {  	_ =	strace s2  }
0xd: {  	s2 =	sld [smem:$0x3FFD];
	_ =	sdelay $0x3  }
0xe: {  	_ =	strace s2  }
0xf: {  	_ =	strace $0x8FFFFFFF  }
0x10: {  	s21 =	sld [smem:$0x3FDB];
	_ =	sdelay $0x1  }
0x11: {  	s4 =	simm.s32 $_scs_section_size  }
0x12: {  	s5 =	simm.s32 $_size__tile_overlayer_lowered;
	s6 =	simm.s32 $_tile_overlayer_lowered  }
0x13: {  	s7 =	simm.s32 $0x1BFF;
	s22 =	sshll.u32 s6, $0x1;
	s4 =	sadd.s32 s4, s21  }
0x14: {  	s23 =	simm.s32 $0x0;
	s5 =	sshll.u32 s5, $0x1;
	s6 =	sadd.s32 s22, s4  }
0x15: {  	[timem:s23], [sflag:s7] =	dma.local [hbm:s6], s5  }
0x16: {  	_ =	swait.ge [sflag:s7], s5  }
0x17: {  	s5 =	ssub.s32 $0x0, s5;
	[sflag:s7] =	ssyncset.done $0x0  }
0x18: {  	[sflag:s7] =	ssyncadd.s32 s5;
	_ =	sdelay $0x1  }
0x19: {  	s24 =	simm.s32 $0x1B8B  }
0x1a: {  	_ =	swait.ge [sflag:s24], $0x1  }
0x1b: {  	[sflag:s24] =	ssyncset.done $0x0  }
0x1c: {  	[sflag:s24] =	ssyncadd.s32 $0xFFFFFFFF  }
0x1d: {  	s5 =	sld [smem:$0x0]  }
0x1e: {  	s6 =	sand.u32 $0xFFFFFFFE, s1  }
0x1f: {  	p0 =	sne.s32 s1, s6  }
0x20: {  	s6 =	sshll.u32 @p0 s6, $0xE  }
0x21: {  	s6 =	sadd.s32 @p0 $0x11B8D, s6;
	s7 =	sshll.u32 @p0 s5, $0x11  }
0x22: {  	s6 =	sor.u32 @p0 s7, s6  }
0x23: {  	[sflag:s6] =	ssyncadd.remote.s32 @p0 $0x1;
	_ =	sdelay $0x1  }
0x24: {  	s6 =	simm.s32 @p0 $0x1B8D  }
0x25: {  	_ =	swait.eq @p0 [sflag:s6], $0x1  }
0x26: {  	[sflag:s6] =	ssyncadd.s32 @p0 $0xFFFFFFFF  }
0x27: {  	s7 =	sshll.u32 @!p0 s1, $0xE  }
0x28: {  	s7 =	sor.u32 @!p0 $0x4000, s7;
	s6 =	simm.s32 @!p0 $0x1B8D  }
0x29: {  	s5 =	sshll.u32 @!p0 s5, $0x11;
	s7 =	sadd.s32 @!p0 $0x11B8D, s7;
	_ =	swait.eq @!p0 [sflag:s6], $0x1  }
0x2a: {  	s5 =	sor.u32 @!p0 s5, s7;
	[sflag:s6] =	ssyncadd.s32 @!p0 $0xFFFFFFFF  }
0x2b: {  	s26 =	simm.s32 $0x1B8E;
	s25 =	sld [smem:$0x3FFE];
	[sflag:s5] =	ssyncadd.remote.s32 @!p0 $0x1  }
0x2c: {  	s27 =	simm.s32 $execute0_lowered;
	[smem:$0x3FD2] =	sst s26  }
0x2d: {  	s6 =	sshll.u32 s27, $0x1;
	_ =	strace $0x80000049;
	[dreg:$0x1] =	wrdreg $0xFFFFFFFF  }
0x2e: {  	s28 =	simm.s32 $_size_execute0_lowered;
	s4 =	sadd.s32 s4, s6;
	[dreg:$0x0] =	wrdreg $0x0  }
0x2f: {  	s6 =	sshll.u32 s28, $0x1;
	[dreg:$0x2] =	wrdreg s4  }
0x30: {  	[dreg:$0x3] =	wrdreg s6  }
0x31: {  	[dreg:$0x4] =	wrdreg $0xC0  }
0x32: {  	_ =	task [dreg:s23], $0x5FFFF  }
0x33: {  	[dreg:$0x1] =	wrdreg $0xFFFFFFFF  }
0x34: {  	[dreg:$0x0] =	wrdreg $0x60  }
0x35: {  	[dreg:$0x2] =	wrdreg s19  }
0x36: {  	[dreg:$0x3] =	wrdreg s25  }
0x37: {  	[dreg:$0x4] =	wrdreg $0x9  }
0x38: {  	_ =	task.clear_ibuf [dreg:s23], $0x5FFFF;
	_ =	strace $0x90000049  }
0x39: {  	s29 =	simm.s32 $0x9;
	_ =	strace $0x8000004B  }
0x3a: {  	_ =	swait.ge [sflag:s29], $0x1  }
0x3b: {  	[sflag:s29] =	ssyncadd.s32 $0xFFFFFFFF  }
0x3c: {  	_ =	strace $0x9000004B  }
0x3d: {  	_ =	sfence  }
0x3e: {  	s30 =	sld [smem:$0x0];
	_ =	sdelay $0x2  }
0x3f: {  	s31 =	sshll.u32 s1, $0xD;
	s1 =	sshrl.u32 s1, $0x2  }
0x40: {  	s4 =	sand.u32 $0x4000, s31;
	s1 =	sadd.s32 s1, s30  }
0x41: {  	s0 =	sor.u32 s4, s0;
	s1 =	sshll.u32 s1, $0x11  }
0x42: {  	s0 =	sor.u32 s1, s0  }
0x43: {  	s0 =	sadd.s32 $0x8F2B, s0  }
0x44: {  	[sflag:s0] =	ssyncadd.remote.s32 $0x1  }
0x45: {  	_ =	sfence.sel $0xFFFF  }
0x46: {  	[dreg:$0x0] =	wrdreg $0xFFFFFFFF;
	(pc) =	sbr.abs _section_cstart, $3  }
0x47: {  	[dreg:$0x1] =	wrdreg $0xFFFFFFFF  }
0x48: {  	_ =	task.clear_ibuf [dreg:s23], $0x2FFFF;
	_ =	strace $0x9FFFFFFF  }
0x49: {  	(tm) =	ssettm $0x7FFFFFFF  }
tec
execute0_lowered:
.L_overlay_start_1:
0x0: {  	(tag) =	ssettag $0x1  }
0x1: {  	s0 =	srdreg.scid  }
0x2: {  	s1 =	sshll.u32 s0, $0x4  }
0x3: {  	s2 =	rddreg [dreg:$0x0];
	s0 =	stileid.u32;
	s1 =	sand.u32 $0x10, s1  }
0x4: {  	s4 =	rddreg [dreg:$0x1];
	s7 =	simm.s32 $0x1;
	s1 =	sor.u32 s0, s1  }
0x5: {  	s8 =	simm.s32 $0x2;
	s9 =	simm.s32 $0x0;
	s3 =	sshll.u32 s1, $0x2  }
0x6: {  	s12 =	simm.s32 $0x0;
	s11 =	simm.s32 $0x0;
	s6 =	ssub.s32 $0x800, s3  }
.Ltmp0:
0x7: {  	s4 =	sadd.s32 $0x311000, s4;
	s5 =	sand.u32 $0x7C, s6;
	(pc) =	sbr.rel .LBB1_1-.Ltmp0, $4  }
0x8: {  	s1 =	rddreg [dreg:$0x2];
	_ =	strace $0x8000004A;
	p0 =	sne.s32 s5, $0x0  }
0x9: {  	s6 =	sshrl.u32 s6, $0x7;
	s5 =	simm.s32 $0x1;
	s7 =	simm.s32 @!p0 $0x0  }
0xa: {  	s10 =	smov.u32 s3;
	[sflag:s5] =	ssyncpa.u1 $0x0;
	s6 =	sadd.s32 s7, s6  }
0xb: {  	[sflag:s8] =	ssyncpa.u1 $0x0;
	s8 =	simm.s32 $0x0;
	s7 =	sadd.s32 $0x1, s6  }
.LBB1_9:
0xc: {  	s14 =	sadd.s32 $0x80, s10  }
0xd: {  	p1 =	sgt.s32 s14, $0x7FF  }
0xe: {  	s14 =	smov.u32 @p1 s3;
	p1 =	sne.s32 s11, s7  }
.Ltmp1:
0xf: {  	p0 =	slt.u32 s11, $0x2;
	(pc) =	sbr.rel @!p1 .LBB1_10-.Ltmp1, $4  }
0x10: {  	s13 =	simm.s32 @!p0 $0x2  }
0x11: {  	s15 =	sadd.s32 $0x1, s11;
	_ =	swait.ge @!p0 [sflag:s13], $0x4000  }
0x12: {  	s12 =	smov.u32 s10;
	s9 =	sadd.s32 $0x4000, s9;
	[sflag:s13] =	ssyncset.done @!p0 $0x0  }
0x13: {  	s11 =	smov.u32 s15;
	s10 =	smov.u32 s14;
	[sflag:s13] =	ssyncadd.s32 @!p0 $0xFFFFC000  }
.LBB1_1:
0x14: {  	p0 =	sge.u32 s11, s6  }
0x15: {  	s13 =	sxor.u32 @!p0 $0xFFFFFFFF, s11  }
0x16: {  	s31 =	sadd.s32 $0xFFFFFFFF, s11;
	s14 =	sshll.u32 @!p0 s10, $0x9;
	s13 =	sshll.u32 @!p0 s13, $0xE  }
0x17: {  	s15 =	simm.s32 @!p0 $0x0;
	s14 =	sadd.s32 @!p0 s2, s14;
	s13 =	sand.u32 @!p0 $0x4000, s13  }
0x18: {  	[tilespmem:s13], [sflag:$0x1] =	stream.linear.gather @!p0 [hbm4b:s14+s15], $0x4000, $0x38;
	[tilespmem:$0x10000] =	vst v63  }
0x19: {  	p0 =	sge.u32 s31, s6  }
.Ltmp2:
0x1a: {  	_ = 	snop;
	(pc) =	sbr.rel @p0 .LBB1_9-.Ltmp2, $1  }
0x1b: {  	_ =	sdelay $0x3  }
0x1c: {  	s14 =	sand.u32 $0x4000, s9  }
0x1d: {  	_ =	swait.ge [sflag:s5], $0x4000;
	s15 =	sshll.u32 s11, $0xE;
	s16 =	simm.s32 $0x0  }
0x1e: {  	s13 =	sor.u32 $0x40, s14;
	[sflag:s5] =	ssyncset.done $0x0;
	s15 =	sand.u32 $0x4000, s15  }
0x1f: {  	s14 =	sor.u32 $0x8040, s14;
	[sflag:s5] =	ssyncadd.s32 $0xFFFFC000;
	s15 =	sor.u32 $0x8000, s15  }
.LBB1_3:
0x20: {  	s17 =	smov.u32 s14;
	s18 =	smov.u32 s13;
	s19 =	simm.s32 $0x0  }
.LBB1_4:
0x21: {  	v0 =	vmov s17;
	v2 =	vld [tilespmem:s18+$0x30]  }
0x22: {  	v4 =	vld [tilespmem:s18+$0xFFFFFFD0]  }
0x23: {  	v6 =	vld [tilespmem:s18+$0xFFFFFFE0]  }
0x24: {  	v7 =	vld [tilespmem:s18+$0xFFFFFFF0]  }
0x25: {  	s20 =	simm.s32 $0x0;
	v1 =	vld [tilespmem:s18+$0x0]  }
0x26: {  	v3 =	vld [tilespmem:s18+$0x10];
	[tilespmem:v0+s20+$0x30 ss:$0x1] =	vst.idx.msk $0xffff, v2  }
0x27: {  	v5 =	vld [tilespmem:s18+$0x20];
	[tilespmem:v0+s20+$0xFFFFFFD0 ss:$0x1] =	vst.idx.msk $0xffff, v4  }
0x28: {  	s21 =	sadd.s32 $0x80, s18;
	v2 =	vld [tilespmem:s18+$0xFFFFFFC0];
	[tilespmem:v0+s20+$0xFFFFFFE0 ss:$0x1] =	vst.idx.msk $0xffff, v6  }
0x29: {  	s22 =	simm.s32 $0x800;
	s23 =	simm.s32 $0x1000;
	v4 =	vld [tilespmem:s21+$0x30];
	[tilespmem:v0+s20+$0xFFFFFFF0 ss:$0x1] =	vst.idx.msk $0xffff, v7  }
.LBB1_5:
0x2a: {  	p0 =	sne.s32 s23, $0x3800;
	v6 =	vld [tilespmem:s21+$0xFFFFFFD0];
	[tilespmem:v0+s20+$0x0 ss:$0x1] =	vst.idx.msk $0xffff, v1  }
0x2b: {  	v7 =	vld [tilespmem:s21+$0xFFFFFFE0];
	[tilespmem:v0+s20+$0x10 ss:$0x1] =	vst.idx.msk $0xffff, v3  }
0x2c: {  	v8 =	vld [tilespmem:s21+$0xFFFFFFF0];
	[tilespmem:v0+s20+$0x20 ss:$0x1] =	vst.idx.msk $0xffff, v5  }
.Ltmp3:
0x2d: {  	v1 =	vld [tilespmem:s21+$0x0];
	[tilespmem:v0+s20+$0xFFFFFFC0 ss:$0x1] =	vst.idx.msk $0xffff, v2;
	s20 =	sshra.s32 s22, $0x2;
	s22 =	smov.u32 s23;
	(pc) =	sbr.rel @p0 .LBB1_5-.Ltmp3, $4  }
0x2e: {  	v3 =	vld [tilespmem:s21+$0x10];
	[tilespmem:v0+s20+$0x30 ss:$0x1] =	vst.idx.msk $0xffff, v4  }
0x2f: {  	[tilespmem:v0+s20+$0xFFFFFFD0 ss:$0x1] =	vst.idx.msk $0xffff, v6;
	v5 =	vld [tilespmem:s21+$0x20]  }
0x30: {  	v2 =	vld [tilespmem:s21+$0xFFFFFFC0];
	[tilespmem:v0+s20+$0xFFFFFFE0 ss:$0x1] =	vst.idx.msk $0xffff, v7;
	s21 =	sadd.s32 $0x80, s21  }
0x31: {  	s23 =	sadd.s32 $0x800, s23;
	v4 =	vld [tilespmem:s21+$0x30];
	[tilespmem:v0+s20+$0xFFFFFFF0 ss:$0x1] =	vst.idx.msk $0xffff, v8  }
0x32: {  	_ =	sdelay $0x3  }
0x33: {  	v6 =	vld [tilespmem:s21+$0xFFFFFFD0];
	[tilespmem:v0+s20+$0x0 ss:$0x1] =	vst.idx.msk $0xffff, v1  }
0x34: {  	v58 =	vld [tilespmem:s21+$0xFFFFFFE0];
	[tilespmem:v0+s20+$0x10 ss:$0x1] =	vst.idx.msk $0xffff, v3  }
0x35: {  	v59 =	vld [tilespmem:s21+$0xFFFFFFF0];
	[tilespmem:v0+s20+$0x20 ss:$0x1] =	vst.idx.msk $0xffff, v5  }
0x36: {  	s22 =	sshra.s32 s22, $0x2;
	v60 =	vld [tilespmem:s21+$0x0];
	[tilespmem:v0+s20+$0xFFFFFFC0 ss:$0x1] =	vst.idx.msk $0xffff, v2  }
0x37: {  	v61 =	vld [tilespmem:s21+$0x10];
	[tilespmem:v0+s22+$0x30 ss:$0x1] =	vst.idx.msk $0xffff, v4  }
0x38: {  	v62 =	vld [tilespmem:s21+$0x20];
	s19 =	sadd.s32 $0x1, s19;
	[tilespmem:v0+s22+$0xFFFFFFD0 ss:$0x1] =	vst.idx.msk $0xffff, v6  }
0x39: {  	v63 =	vld [tilespmem:s21+$0xFFFFFFC0];
	p0 =	sne.s32 s19, $0x4;
	[tilespmem:v0+s22+$0xFFFFFFE0 ss:$0x1] =	vst.idx.msk $0xffff, v58  }
.Ltmp4:
0x3a: {  	[tilespmem:v0+s22+$0xFFFFFFF0 ss:$0x1] =	vst.idx.msk $0xffff, v59;
	(pc) =	sbr.rel @p0 .LBB1_4-.Ltmp4, $4  }
0x3b: {  	[tilespmem:v0+s22+$0x0 ss:$0x1] =	vst.idx.msk $0xffff, v60  }
0x3c: {  	[tilespmem:v0+s22+$0x10 ss:$0x1] =	vst.idx.msk $0xffff, v61  }
0x3d: {  	[tilespmem:v0+s22+$0x20 ss:$0x1] =	vst.idx.msk $0xffff, v62  }
0x3e: {  	s18 =	sadd.s32 $0x400, s18;
	s17 =	sadd.s32 $0x80, s17;
	[tilespmem:v0+s22+$0xFFFFFFC0 ss:$0x1] =	vst.idx.msk $0xffff, v63  }
0x3f: {  	s16 =	sadd.s32 $0x1, s16  }
0x40: {  	p0 =	sne.s32 s16, $0x4  }
.Ltmp5:
0x41: {  	_ = 	snop;
	(pc) =	sbr.rel @p0 .LBB1_3-.Ltmp5, $2  }
0x42: {  	_ =	sdelay $0x2  }
0x43: {  	s13 =	sadd.s32 $0x1000, s13;
	s14 =	sadd.s32 $0x1000, s14  }
.Ltmp6:
0x44: {  	(pc) =	sbr.rel .LBB1_9-.Ltmp6, $4  }
0x45: {  	_ = 	snop  }
0x46: {  	s12 =	sshll.u32 s12, $0x9  }
0x47: {  	s12 =	sadd.s32 s4, s12  }
0x48: {  	[hbm4b:s12+s8] =	stream.linear.scatter [tilespmem:s15], [sflag:$0x2], $0x4000, $0x38;
	[tilespmem:$0x10000] =	vst v63  }
.LBB1_10:
0x49: {  	_ =	sfence.sel $0x180000  }
0x4a: {  	s2 =	simm.s32 $0x1;
	[bflag:$0x0] =	sbarrier.arrive $0xFFFF  }
0x4b: {  	s31 =	simm.s32 $0x2;
	[sflag:s2] =	ssyncpa.u1 $0x1  }
0x4c: {  	[sflag:s31] =	ssyncpa.u1 $0x1  }
0x4d: {  	p0 =	sne.s32 s0, $0x0;
	_ =	strace $0x9000004A  }
0x4e: {  	s0 =	sadd.s32 @!p0 $0x100000, s1;
	[bflag:$0x2] =	sbarrier.arrive $0xFFFF  }
0x4f: {  	[sflag:s0] =	ssyncadd.tile.s32 @!p0 $0x1;
	_ =	shalt  }
.Lfunc_end1:
_tile_overlayer_lowered:
.L_overlay_start_2:
0x50: {  	(tag) =	ssettag $0x2  }
0x51: {  	s0 =	rddreg [dreg:$0x0];
	s2 =	stileid.u32  }
0x52: {  	s1 =	rddreg [dreg:$0x1];
	p0 =	sne.s32 s2, $0x0  }
0x53: {  	s3 =	rddreg [dreg:$0x2];
	[bflag:$0x3] =	sbarrier.arrive $0xFFFF;
	s2 =	simm.s32 @!p0 $0x1C01  }
0x54: {  	[timem:s3], [sflag:s2] =	dma.local @!p0 [hbm:s0], s1  }
0x55: {  	s0 =	simm.s32 @!p0 $0x1  }
0x56: {  	_ =	swait.ge @!p0 [sflag:s0], s1  }
0x57: {  	s1 =	ssub.s32 @!p0 $0x0, s1;
	[sflag:s0] =	ssyncset.done @!p0 $0x0  }
0x58: {  	[sflag:s0] =	ssyncadd.s32 @!p0 s1  }
0x59: {  	[bflag:$0x3] =	sbarrier.arrive $0xFFFF  }
0x5a: {  	_ =	shalt  }

</sc_bundles>
